<compile_context>
chip_gen: v7x
topology: tpu7x:2x2x1
jax: 0.10.2.dev20260603
libtpu: 0.0.44.dev20260713+nightly
codegen_flags: <defaults>
</compile_context>

<pallas_src>
import dataclasses
import functools

import jax
import jax.numpy as jnp
from jax import lax
from jax.experimental import pallas as pl
from jax.experimental.pallas import tpu as pltpu
from jax.experimental.pallas import tpu_sc as plsc

N = 10000
F = 128
NC = 2
NS = 16
LANES = 16
CHUNK = 128
CHUNKS_PER_TILE = 80
E_PAD = NC * NS * CHUNKS_PER_TILE * CHUNK
ROWS_PER_TILE_AGG = 632
N_ACC = NS * ROWS_PER_TILE_AGG
NB = 10016
EPT = E_PAD // (NC * NS)

_mesh = plsc.VectorSubcoreMesh(core_axis_name="c", subcore_axis_name="s")

_cp = pltpu.CompilerParams()
if "needs_layout_passes" in pltpu.CompilerParams.__dataclass_fields__:
    _cp = dataclasses.replace(_cp, needs_layout_passes=False)


@functools.partial(
    pl.kernel,
    out_type=jax.ShapeDtypeStruct((NC, NS, 2, NB), jnp.float32),
    mesh=_mesh,
    compiler_params=_cp,
    scratch_types=[
        pltpu.VMEM((EPT,), jnp.int32),
        pltpu.VMEM((EPT,), jnp.int32),
        pltpu.VMEM((2, NB), jnp.float32),
    ],
)
def _count_kernel(src_hbm, dst_hbm, zeros_hbm, out_hbm, si_v, di_v, hist_v):
    c = lax.axis_index("c")
    s = lax.axis_index("s")
    pltpu.sync_copy(zeros_hbm, hist_v)
    pltpu.sync_copy(src_hbm.at[c].at[s], si_v)
    pltpu.sync_copy(dst_hbm.at[c].at[s], di_v)
    ones16 = jnp.full((16,), 1.0, jnp.float32)
    row0 = jnp.zeros((16,), jnp.int32)
    row1 = jnp.ones((16,), jnp.int32)

    @pl.loop(0, EPT, step=16)
    def _(e):
        sv = si_v[pl.ds(e, 16)]
        dv = di_v[pl.ds(e, 16)]
        plsc.addupdate_scatter(hist_v, [row0, sv], ones16)
        plsc.addupdate_scatter(hist_v, [row1, dv], ones16)

    pltpu.sync_copy(hist_v, out_hbm.at[c].at[s])


HALF = CHUNKS_PER_TILE // 2


def _agg_body(h_hbm, si_v, di_v, rows0_v, rows1_v, acc_sh, sem0, sem1):
    pltpu.make_async_copy(h_hbm.at[si_v.at[0]], rows0_v, sem0).start()

    @pl.loop(0, HALF, step=2)
    def _(j):
        pltpu.make_async_copy(h_hbm.at[si_v.at[j + 1]], rows1_v, sem1).start()
        pltpu.make_async_copy(h_hbm.at[si_v.at[j]], rows0_v, sem0).wait()
        pltpu.sync_copy(rows0_v, acc_sh.at[di_v.at[j]], add=True)

        @pl.when(j + 2 < HALF)
        def _():
            pltpu.make_async_copy(h_hbm.at[si_v.at[j + 2]], rows0_v,
                                  sem0).start()

        pltpu.make_async_copy(h_hbm.at[si_v.at[j + 1]], rows1_v, sem1).wait()
        pltpu.sync_copy(rows1_v, acc_sh.at[di_v.at[j + 1]], add=True)


@functools.partial(
    pl.kernel,
    out_type=jax.ShapeDtypeStruct((NC, N_ACC, F), jnp.float32),
    mesh=_mesh,
    scratch_types=[
        pltpu.VMEM((HALF, CHUNK), jnp.int32),
        pltpu.VMEM((HALF, CHUNK), jnp.int32),
        pltpu.VMEM((CHUNK, F), jnp.float32),
        pltpu.VMEM((CHUNK, F), jnp.float32),
        pltpu.VMEM_SHARED((N_ACC, F), jnp.float32),
        pltpu.SemaphoreType.DMA,
        pltpu.SemaphoreType.DMA,
    ],
)
def _agg_kernel(h_hbm, src_hbm, dst_hbm, zeros_hbm, out_hbm,
                si_v, di_v, rows0_v, rows1_v, acc_sh, sem0, sem1):
    c = lax.axis_index("c")
    s = lax.axis_index("s")
    base = s * ROWS_PER_TILE_AGG

    pltpu.sync_copy(zeros_hbm, acc_sh.at[pl.ds(base, ROWS_PER_TILE_AGG)])
    pltpu.sync_copy(src_hbm.at[c].at[s].at[pl.ds(0, HALF)], si_v)
    pltpu.sync_copy(dst_hbm.at[c].at[s].at[pl.ds(0, HALF)], di_v)
    plsc.subcore_barrier()

    _agg_body(h_hbm, si_v, di_v, rows0_v, rows1_v, acc_sh, sem0, sem1)

    pltpu.sync_copy(src_hbm.at[c].at[s].at[pl.ds(HALF, HALF)], si_v)
    pltpu.sync_copy(dst_hbm.at[c].at[s].at[pl.ds(HALF, HALF)], di_v)

    _agg_body(h_hbm, si_v, di_v, rows0_v, rows1_v, acc_sh, sem0, sem1)

    plsc.subcore_barrier()
    pltpu.sync_copy(acc_sh.at[pl.ds(base, ROWS_PER_TILE_AGG)],
                    out_hbm.at[c].at[pl.ds(base, ROWS_PER_TILE_AGG)])


def _norm_from(cnt_ref):
    cnt = jnp.sum(cnt_ref[...], axis=1, keepdims=True)
    return lax.rsqrt(jnp.maximum(cnt, 1.0))


def _mm_scale_body(x_ref, w_ref, cs_ref, o_ref):
    o_ref[...] = jnp.dot(x_ref[...], w_ref[...],
                         preferred_element_type=jnp.float32) * _norm_from(cs_ref)


def _mid_body(p_ref, cd_ref, b_ref, w_ref, cs_ref, o_ref):
    x1 = jnp.maximum((p_ref[0] + p_ref[1]) * _norm_from(cd_ref) + b_ref[...],
                     0.0)
    o_ref[...] = jnp.dot(x1, w_ref[...],
                         preferred_element_type=jnp.float32) * _norm_from(cs_ref)


def _final_body(q_ref, cd_ref, b_ref, o_ref):
    o_ref[...] = jnp.maximum(
        (q_ref[0] + q_ref[1]) * _norm_from(cd_ref) + b_ref[...], 0.0)


_ROWS_BLK = 1000
_GRID = N // _ROWS_BLK

_cnt_spec = pl.BlockSpec((_ROWS_BLK, NC * NS), lambda i: (i, 0))
_row_spec = pl.BlockSpec((_ROWS_BLK, F), lambda i: (i, 0))
_w_spec = pl.BlockSpec((F, F), lambda i: (0, 0))
_b_spec = pl.BlockSpec((1, F), lambda i: (0, 0))
_p_spec = pl.BlockSpec((NC, _ROWS_BLK, F), lambda i: (0, i, 0))
_out_sds = jax.ShapeDtypeStruct((N, F), jnp.float32)

_mm_scale = pl.pallas_call(
    _mm_scale_body,
    grid=(_GRID,),
    in_specs=[_row_spec, _w_spec, _cnt_spec],
    out_specs=_row_spec,
    out_shape=_out_sds,
)

_mid = pl.pallas_call(
    _mid_body,
    grid=(_GRID,),
    in_specs=[_p_spec, _cnt_spec, _b_spec, _w_spec, _cnt_spec],
    out_specs=_row_spec,
    out_shape=_out_sds,
)

_final = pl.pallas_call(
    _final_body,
    grid=(_GRID,),
    in_specs=[_p_spec, _cnt_spec, _b_spec],
    out_specs=_row_spec,
    out_shape=_out_sds,
)


def kernel(features, edge_index, W0, b0, W1, b1):
    src = edge_index[0].astype(jnp.int32)
    dst = edge_index[1].astype(jnp.int32)
    e = src.shape[0]
    npad = E_PAD - e
    pad_iota = lax.iota(jnp.int32, npad)
    idx_shape = (NC, NS, CHUNKS_PER_TILE, CHUNK)
    src_cnt = jnp.concatenate([src, N + (pad_iota % 16)]).reshape(idx_shape)
    src_gat = jnp.concatenate([src, pad_iota % N]).reshape(idx_shape)
    dst_all = jnp.concatenate([dst, N + (pad_iota % 16)]).reshape(idx_shape)

    zeros_cnt = jnp.zeros((2, NB), jnp.float32)
    cnt = _count_kernel(src_cnt.reshape(NC, NS, EPT),
                        dst_all.reshape(NC, NS, EPT),
                        zeros_cnt)
    cnt = jnp.transpose(cnt.reshape(NC * NS, 2, NB), (2, 1, 0))
    cs_all = cnt[:N, 0]
    cd_all = cnt[:N, 1]

    zeros_agg = jnp.zeros((ROWS_PER_TILE_AGG, F), jnp.float32)
    b0r = b0.reshape(1, F)
    b1r = b1.reshape(1, F)

    h0 = _mm_scale(features, W0, cs_all)
    p = _agg_kernel(h0, src_gat, dst_all, zeros_agg)
    h1 = _mid(p, cd_all, b0r, W1, cs_all)
    q = _agg_kernel(h1, src_gat, dst_all, zeros_agg)
    return _final(q, cd_all, b1r)

# --- scband reference (transcript-rebuilt; emitter-appended) ---
"""Pipeline reference for scband-gnn-47107201302799 (READ-ONLY COPY).

The authoritative reference and input builder live on the scoring server;
editing this copy changes nothing except your own understanding.
"""

import jax, jax.numpy as jnp
import numpy as np

N = 10000
E = 320000
F_IN = 128
H = 128


def setup_inputs(seed: int = 0) -> dict:
    key = jax.random.key(seed)
    k1, k2, k3, k4 = jax.random.split(key, 4)
    features = jax.random.normal(k1, (N, F_IN), dtype=jnp.float32)
    edge_index = jax.random.randint(k2, (2, E), 0, N)
    W0 = jax.random.normal(k3, (F_IN, H), dtype=jnp.float32) * 0.05
    b0 = jnp.zeros((H,), dtype=jnp.float32)
    W1 = jax.random.normal(k4, (H, H), dtype=jnp.float32) * 0.05
    b1 = jnp.zeros((H,), dtype=jnp.float32)
    return {"features": features, "edge_index": edge_index, "W0": W0, "b0": b0, "W1": W1, "b1": b1}


def reference(features, edge_index, W0, b0, W1, b1):
    # DGL-style GraphConv with norm='both': h' = relu(D_in^{-1/2} A D_out^{-1/2} (x W) + b)
    src = edge_index[0]
    dst = edge_index[1]
    deg_out = jnp.maximum(jnp.bincount(src, length=N).astype(jnp.float32), 1.0)
    deg_in = jnp.maximum(jnp.bincount(dst, length=N).astype(jnp.float32), 1.0)
    norm_src = jax.lax.rsqrt(deg_out)
    norm_dst = jax.lax.rsqrt(deg_in)
    x = features
    for (W, b) in ((W0, b0), (W1, b1)):
        h = x @ W
        m = jnp.take(h, src, axis=0) * norm_src[src][:, None]
        agg = jax.ops.segment_sum(m, dst, num_segments=N)
        x = jax.nn.relu(agg * norm_dst[:, None] + b)
    return x

if __name__ == "__main__":
    import jax
    _d = setup_inputs()
    print(jax.jit(kernel)(*tuple(_d.values())))

</pallas_src>

<mosaic_0001>
#map = affine_map<(d0, d1) -> (0, 0)>
#map1 = affine_map<(d0, d1) -> (0, 0, 0, 0)>
#map2 = affine_map<(d0, d1) -> (0, 0, 0)>
module attributes {stable_mosaic.version = 14 : i64} {
  func.func @_agg_kernel(%arg0: i32, %arg1: i32, %arg2: memref<10000x128xf32, #tpu.memory_space<hbm>>, %arg3: memref<2x16x80x128xi32, #tpu.memory_space<hbm>>, %arg4: memref<2x16x80x128xi32, #tpu.memory_space<hbm>>, %arg5: memref<632x128xf32, #tpu.memory_space<hbm>>, %arg6: memref<2x10112x128xf32, #tpu.memory_space<hbm>>, %arg7: memref<40x128xi32, #tpu.memory_space<vmem>>, %arg8: memref<40x128xi32, #tpu.memory_space<vmem>>, %arg9: memref<128x128xf32, #tpu.memory_space<vmem>>, %arg10: memref<128x128xf32, #tpu.memory_space<vmem>>, %arg11: memref<10112x128xf32, #tpu.memory_space<vmem_shared>>, %arg12: memref<!tpu.dma_semaphore, #tpu.memory_space<semaphore_mem>>, %arg13: memref<!tpu.dma_semaphore, #tpu.memory_space<semaphore_mem>>) attributes {dimension_semantics = [#tpu.dimension_semantics<core_parallel>, #tpu.dimension_semantics<subcore_parallel>], iteration_bounds = array<i64: 2, 16>, scalar_prefetch = 0 : i64, scratch_operands = 7 : i64, tpu.core_type = #tpu.core_type<sc_vector_subcore>, window_params = [{transform_indices = #map}, {transform_indices = #map1}, {transform_indices = #map1}, {transform_indices = #map}, {transform_indices = #map2}]} {
    %mul3A = arith.constant 632 : i32
    %mul3A_0 = arith.muli %arg1, %mul3A : i32
    "tpu.region"() ({
      %run_scoped3A = tpu.sem_alloc : memref<!tpu.dma_semaphore, #tpu.memory_space<semaphore_mem>>
      %dma_start3A_24 = arith.constant 0 : i32
      %dma_start3A_25 = tpu.memref_slice %arg11[%mul3A_0, %dma_start3A_24] : memref<10112x128xf32, #tpu.memory_space<vmem_shared>> -> memref<632x128xf32, #tpu.memory_space<vmem_shared>>
      tpu.enqueue_dma source(%arg5 : memref<632x128xf32, #tpu.memory_space<hbm>>) target(%dma_start3A_25 : memref<632x128xf32, #tpu.memory_space<vmem_shared>>) target_semaphore(%run_scoped3A : memref<!tpu.dma_semaphore, #tpu.memory_space<semaphore_mem>>)
      %dma_wait3A = arith.constant 0 : i32
      %dma_wait3A_26 = tpu.memref_slice %arg11[%mul3A_0, %dma_wait3A] : memref<10112x128xf32, #tpu.memory_space<vmem_shared>> -> memref<632x128xf32, #tpu.memory_space<vmem_shared>>
      tpu.wait_dma2 semaphore(%run_scoped3A : memref<!tpu.dma_semaphore, #tpu.memory_space<semaphore_mem>>) src(%arg5 : memref<632x128xf32, #tpu.memory_space<hbm>>) dst(%dma_wait3A_26 : memref<632x128xf32, #tpu.memory_space<vmem_shared>>)
      tpu.yield
    }) : () -> ()
    "tpu.region"() ({
      %run_scoped3A = tpu.sem_alloc : memref<!tpu.dma_semaphore, #tpu.memory_space<semaphore_mem>>
      %dma_start3A_24 = arith.constant 0 : i32
      %dma_start3A_25 = arith.constant 0 : i32
      %dma_start3A_26 = arith.constant 0 : i32
      %dma_start3A_27 = tpu.memref_slice %arg3[%arg0, %dma_start3A_24, %dma_start3A_25, %dma_start3A_26] : memref<2x16x80x128xi32, #tpu.memory_space<hbm>> -> memref<1x16x80x128xi32, #tpu.memory_space<hbm>>
      %dma_start3A_28 = tpu.memref_squeeze %dma_start3A_27 : memref<1x16x80x128xi32, #tpu.memory_space<hbm>> -> memref<16x80x128xi32, #tpu.memory_space<hbm>>
      %dma_start3A_29 = arith.constant 0 : i32
      %dma_start3A_30 = arith.constant 0 : i32
      %dma_start3A_31 = tpu.memref_slice %dma_start3A_28[%arg1, %dma_start3A_29, %dma_start3A_30] : memref<16x80x128xi32, #tpu.memory_space<hbm>> -> memref<1x80x128xi32, #tpu.memory_space<hbm>>
      %dma_start3A_32 = tpu.memref_squeeze %dma_start3A_31 : memref<1x80x128xi32, #tpu.memory_space<hbm>> -> memref<80x128xi32, #tpu.memory_space<hbm>>
      %dma_start3A_33 = arith.constant 0 : i32
      %dma_start3A_34 = arith.constant 0 : i32
      %dma_start3A_35 = tpu.memref_slice %dma_start3A_32[%dma_start3A_33, %dma_start3A_34] : memref<80x128xi32, #tpu.memory_space<hbm>> -> memref<40x128xi32, #tpu.memory_space<hbm>>
      %dma_start3A_36 = arith.constant 0 : i32
      %dma_start3A_37 = arith.constant 0 : i32
      %dma_start3A_38 = arith.constant 0 : i32
      %dma_start3A_39 = tpu.memref_slice %arg3[%arg0, %dma_start3A_36, %dma_start3A_37, %dma_start3A_38] : memref<2x16x80x128xi32, #tpu.memory_space<hbm>> -> memref<1x16x80x128xi32, #tpu.memory_space<hbm>>
      %dma_start3A_40 = tpu.memref_squeeze %dma_start3A_39 : memref<1x16x80x128xi32, #tpu.memory_space<hbm>> -> memref<16x80x128xi32, #tpu.memory_space<hbm>>
      %dma_start3A_41 = arith.constant 0 : i32
      %dma_start3A_42 = arith.constant 0 : i32
      %dma_start3A_43 = tpu.memref_slice %dma_start3A_40[%arg1, %dma_start3A_41, %dma_start3A_42] : memref<16x80x128xi32, #tpu.memory_space<hbm>> -> memref<1x80x128xi32, #tpu.memory_space<hbm>>
      %dma_start3A_44 = tpu.memref_squeeze %dma_start3A_43 : memref<1x80x128xi32, #tpu.memory_space<hbm>> -> memref<80x128xi32, #tpu.memory_space<hbm>>
      %dma_start3A_45 = arith.constant 0 : i32
      %dma_start3A_46 = arith.constant 0 : i32
      %dma_start3A_47 = tpu.memref_slice %dma_start3A_44[%dma_start3A_45, %dma_start3A_46] : memref<80x128xi32, #tpu.memory_space<hbm>> -> memref<40x128xi32, #tpu.memory_space<hbm>>
      tpu.enqueue_dma source(%dma_start3A_47 : memref<40x128xi32, #tpu.memory_space<hbm>>) target(%arg7 : memref<40x128xi32, #tpu.memory_space<vmem>>) target_semaphore(%run_scoped3A : memref<!tpu.dma_semaphore, #tpu.memory_space<semaphore_mem>>)
      %dma_wait3A = arith.constant 0 : i32
      %dma_wait3A_48 = arith.constant 0 : i32
      %dma_wait3A_49 = arith.constant 0 : i32
      %dma_wait3A_50 = tpu.memref_slice %arg3[%arg0, %dma_wait3A, %dma_wait3A_48, %dma_wait3A_49] : memref<2x16x80x128xi32, #tpu.memory_space<hbm>> -> memref<1x16x80x128xi32, #tpu.memory_space<hbm>>
      %dma_wait3A_51 = tpu.memref_squeeze %dma_wait3A_50 : memref<1x16x80x128xi32, #tpu.memory_space<hbm>> -> memref<16x80x128xi32, #tpu.memory_space<hbm>>
      %dma_wait3A_52 = arith.constant 0 : i32
      %dma_wait3A_53 = arith.constant 0 : i32
      %dma_wait3A_54 = tpu.memref_slice %dma_wait3A_51[%arg1, %dma_wait3A_52, %dma_wait3A_53] : memref<16x80x128xi32, #tpu.memory_space<hbm>> -> memref<1x80x128xi32, #tpu.memory_space<hbm>>
      %dma_wait3A_55 = tpu.memref_squeeze %dma_wait3A_54 : memref<1x80x128xi32, #tpu.memory_space<hbm>> -> memref<80x128xi32, #tpu.memory_space<hbm>>
      %dma_wait3A_56 = arith.constant 0 : i32
      %dma_wait3A_57 = arith.constant 0 : i32
      %dma_wait3A_58 = tpu.memref_slice %dma_wait3A_55[%dma_wait3A_56, %dma_wait3A_57] : memref<80x128xi32, #tpu.memory_space<hbm>> -> memref<40x128xi32, #tpu.memory_space<hbm>>
      %dma_wait3A_59 = arith.constant 0 : i32
      %dma_wait3A_60 = arith.constant 0 : i32
      %dma_wait3A_61 = arith.constant 0 : i32
      %dma_wait3A_62 = tpu.memref_slice %arg3[%arg0, %dma_wait3A_59, %dma_wait3A_60, %dma_wait3A_61] : memref<2x16x80x128xi32, #tpu.memory_space<hbm>> -> memref<1x16x80x128xi32, #tpu.memory_space<hbm>>
      %dma_wait3A_63 = tpu.memref_squeeze %dma_wait3A_62 : memref<1x16x80x128xi32, #tpu.memory_space<hbm>> -> memref<16x80x128xi32, #tpu.memory_space<hbm>>
      %dma_wait3A_64 = arith.constant 0 : i32
      %dma_wait3A_65 = arith.constant 0 : i32
      %dma_wait3A_66 = tpu.memref_slice %dma_wait3A_63[%arg1, %dma_wait3A_64, %dma_wait3A_65] : memref<16x80x128xi32, #tpu.memory_space<hbm>> -> memref<1x80x128xi32, #tpu.memory_space<hbm>>
      %dma_wait3A_67 = tpu.memref_squeeze %dma_wait3A_66 : memref<1x80x128xi32, #tpu.memory_space<hbm>> -> memref<80x128xi32, #tpu.memory_space<hbm>>
      %dma_wait3A_68 = arith.constant 0 : i32
      %dma_wait3A_69 = arith.constant 0 : i32
      %dma_wait3A_70 = tpu.memref_slice %dma_wait3A_67[%dma_wait3A_68, %dma_wait3A_69] : memref<80x128xi32, #tpu.memory_space<hbm>> -> memref<40x128xi32, #tpu.memory_space<hbm>>
      tpu.wait_dma2 semaphore(%run_scoped3A : memref<!tpu.dma_semaphore, #tpu.memory_space<semaphore_mem>>) src(%dma_wait3A_70 : memref<40x128xi32, #tpu.memory_space<hbm>>) dst(%arg7 : memref<40x128xi32, #tpu.memory_space<vmem>>)
      tpu.yield
    }) : () -> ()
    "tpu.region"() ({
      %run_scoped3A = tpu.sem_alloc : memref<!tpu.dma_semaphore, #tpu.memory_space<semaphore_mem>>
      %dma_start3A_24 = arith.constant 0 : i32
      %dma_start3A_25 = arith.constant 0 : i32
      %dma_start3A_26 = arith.constant 0 : i32
      %dma_start3A_27 = tpu.memref_slice %arg4[%arg0, %dma_start3A_24, %dma_start3A_25, %dma_start3A_26] : memref<2x16x80x128xi32, #tpu.memory_space<hbm>> -> memref<1x16x80x128xi32, #tpu.memory_space<hbm>>
      %dma_start3A_28 = tpu.memref_squeeze %dma_start3A_27 : memref<1x16x80x128xi32, #tpu.memory_space<hbm>> -> memref<16x80x128xi32, #tpu.memory_space<hbm>>
      %dma_start3A_29 = arith.constant 0 : i32
      %dma_start3A_30 = arith.constant 0 : i32
      %dma_start3A_31 = tpu.memref_slice %dma_start3A_28[%arg1, %dma_start3A_29, %dma_start3A_30] : memref<16x80x128xi32, #tpu.memory_space<hbm>> -> memref<1x80x128xi32, #tpu.memory_space<hbm>>
      %dma_start3A_32 = tpu.memref_squeeze %dma_start3A_31 : memref<1x80x128xi32, #tpu.memory_space<hbm>> -> memref<80x128xi32, #tpu.memory_space<hbm>>
      %dma_start3A_33 = arith.constant 0 : i32
      %dma_start3A_34 = arith.constant 0 : i32
      %dma_start3A_35 = tpu.memref_slice %dma_start3A_32[%dma_start3A_33, %dma_start3A_34] : memref<80x128xi32, #tpu.memory_space<hbm>> -> memref<40x128xi32, #tpu.memory_space<hbm>>
      %dma_start3A_36 = arith.constant 0 : i32
      %dma_start3A_37 = arith.constant 0 : i32
      %dma_start3A_38 = arith.constant 0 : i32
      %dma_start3A_39 = tpu.memref_slice %arg4[%arg0, %dma_start3A_36, %dma_start3A_37, %dma_start3A_38] : memref<2x16x80x128xi32, #tpu.memory_space<hbm>> -> memref<1x16x80x128xi32, #tpu.memory_space<hbm>>
      %dma_start3A_40 = tpu.memref_squeeze %dma_start3A_39 : memref<1x16x80x128xi32, #tpu.memory_space<hbm>> -> memref<16x80x128xi32, #tpu.memory_space<hbm>>
      %dma_start3A_41 = arith.constant 0 : i32
      %dma_start3A_42 = arith.constant 0 : i32
      %dma_start3A_43 = tpu.memref_slice %dma_start3A_40[%arg1, %dma_start3A_41, %dma_start3A_42] : memref<16x80x128xi32, #tpu.memory_space<hbm>> -> memref<1x80x128xi32, #tpu.memory_space<hbm>>
      %dma_start3A_44 = tpu.memref_squeeze %dma_start3A_43 : memref<1x80x128xi32, #tpu.memory_space<hbm>> -> memref<80x128xi32, #tpu.memory_space<hbm>>
      %dma_start3A_45 = arith.constant 0 : i32
      %dma_start3A_46 = arith.constant 0 : i32
      %dma_start3A_47 = tpu.memref_slice %dma_start3A_44[%dma_start3A_45, %dma_start3A_46] : memref<80x128xi32, #tpu.memory_space<hbm>> -> memref<40x128xi32, #tpu.memory_space<hbm>>
      tpu.enqueue_dma source(%dma_start3A_47 : memref<40x128xi32, #tpu.memory_space<hbm>>) target(%arg8 : memref<40x128xi32, #tpu.memory_space<vmem>>) target_semaphore(%run_scoped3A : memref<!tpu.dma_semaphore, #tpu.memory_space<semaphore_mem>>)
      %dma_wait3A = arith.constant 0 : i32
      %dma_wait3A_48 = arith.constant 0 : i32
      %dma_wait3A_49 = arith.constant 0 : i32
      %dma_wait3A_50 = tpu.memref_slice %arg4[%arg0, %dma_wait3A, %dma_wait3A_48, %dma_wait3A_49] : memref<2x16x80x128xi32, #tpu.memory_space<hbm>> -> memref<1x16x80x128xi32, #tpu.memory_space<hbm>>
      %dma_wait3A_51 = tpu.memref_squeeze %dma_wait3A_50 : memref<1x16x80x128xi32, #tpu.memory_space<hbm>> -> memref<16x80x128xi32, #tpu.memory_space<hbm>>
      %dma_wait3A_52 = arith.constant 0 : i32
      %dma_wait3A_53 = arith.constant 0 : i32
      %dma_wait3A_54 = tpu.memref_slice %dma_wait3A_51[%arg1, %dma_wait3A_52, %dma_wait3A_53] : memref<16x80x128xi32, #tpu.memory_space<hbm>> -> memref<1x80x128xi32, #tpu.memory_space<hbm>>
      %dma_wait3A_55 = tpu.memref_squeeze %dma_wait3A_54 : memref<1x80x128xi32, #tpu.memory_space<hbm>> -> memref<80x128xi32, #tpu.memory_space<hbm>>
      %dma_wait3A_56 = arith.constant 0 : i32
      %dma_wait3A_57 = arith.constant 0 : i32
      %dma_wait3A_58 = tpu.memref_slice %dma_wait3A_55[%dma_wait3A_56, %dma_wait3A_57] : memref<80x128xi32, #tpu.memory_space<hbm>> -> memref<40x128xi32, #tpu.memory_space<hbm>>
      %dma_wait3A_59 = arith.constant 0 : i32
      %dma_wait3A_60 = arith.constant 0 : i32
      %dma_wait3A_61 = arith.constant 0 : i32
      %dma_wait3A_62 = tpu.memref_slice %arg4[%arg0, %dma_wait3A_59, %dma_wait3A_60, %dma_wait3A_61] : memref<2x16x80x128xi32, #tpu.memory_space<hbm>> -> memref<1x16x80x128xi32, #tpu.memory_space<hbm>>
      %dma_wait3A_63 = tpu.memref_squeeze %dma_wait3A_62 : memref<1x16x80x128xi32, #tpu.memory_space<hbm>> -> memref<16x80x128xi32, #tpu.memory_space<hbm>>
      %dma_wait3A_64 = arith.constant 0 : i32
      %dma_wait3A_65 = arith.constant 0 : i32
      %dma_wait3A_66 = tpu.memref_slice %dma_wait3A_63[%arg1, %dma_wait3A_64, %dma_wait3A_65] : memref<16x80x128xi32, #tpu.memory_space<hbm>> -> memref<1x80x128xi32, #tpu.memory_space<hbm>>
      %dma_wait3A_67 = tpu.memref_squeeze %dma_wait3A_66 : memref<1x80x128xi32, #tpu.memory_space<hbm>> -> memref<80x128xi32, #tpu.memory_space<hbm>>
      %dma_wait3A_68 = arith.constant 0 : i32
      %dma_wait3A_69 = arith.constant 0 : i32
      %dma_wait3A_70 = tpu.memref_slice %dma_wait3A_67[%dma_wait3A_68, %dma_wait3A_69] : memref<80x128xi32, #tpu.memory_space<hbm>> -> memref<40x128xi32, #tpu.memory_space<hbm>>
      tpu.wait_dma2 semaphore(%run_scoped3A : memref<!tpu.dma_semaphore, #tpu.memory_space<semaphore_mem>>) src(%dma_wait3A_70 : memref<40x128xi32, #tpu.memory_space<hbm>>) dst(%arg8 : memref<40x128xi32, #tpu.memory_space<vmem>>)
      tpu.yield
    }) : () -> ()
    %barrier3A = arith.constant 0 : index
    tpu.barrier barrier_id(%barrier3A)
    %dma_start3A = arith.constant 0 : i32
    %dma_start3A_1 = arith.constant 0 : i32
    %dma_start3A_2 = tpu.memref_slice %arg7[%dma_start3A, %dma_start3A_1] : memref<40x128xi32, #tpu.memory_space<vmem>> -> memref<1x128xi32, #tpu.memory_space<vmem>>
    %dma_start3A_3 = tpu.memref_squeeze %dma_start3A_2 : memref<1x128xi32, #tpu.memory_space<vmem>> -> memref<128xi32, #tpu.memory_space<vmem>>
    %dma_start3A_4 = arith.constant 0 : i32
    %dma_start3A_5 = arith.constant 0 : i32
    %dma_start3A_6 = tpu.memref_slice %arg2[%dma_start3A_4, %dma_start3A_5] : memref<10000x128xf32, #tpu.memory_space<hbm>> -> memref<10000x128xf32, #tpu.memory_space<hbm>>
    tpu.enqueue_indirect_dma source(%dma_start3A_6 : memref<10000x128xf32, #tpu.memory_space<hbm>>) target(%arg9 : memref<128x128xf32, #tpu.memory_space<vmem>>) offsets(%dma_start3A_3 : memref<128xi32, #tpu.memory_space<vmem>>) semaphore(%arg12 : memref<!tpu.dma_semaphore, #tpu.memory_space<semaphore_mem>>)
    %scan3A = arith.constant 0 : i32
    %scan3A_7 = arith.constant 20 : i32
    %scan3A_8 = arith.addi %scan3A, %scan3A_7 : i32
    %scan3A_9 = arith.constant 1 : i32
    scf.for %scan3A_24 = %scan3A to %scan3A_8 step %scan3A_9  : i32 {
      %mul3A_25 = arith.constant 2 : i32
      %mul3A_26 = arith.muli %scan3A_24, %mul3A_25 : i32
      %add3A = arith.constant 0 : i32
      %add3A_27 = arith.addi %add3A, %mul3A_26 : i32
      %add3A_28 = arith.constant 1 : i32
      %add3A_29 = arith.addi %add3A_27, %add3A_28 : i32
      %dma_start3A_30 = arith.constant 0 : i32
      %dma_start3A_31 = tpu.memref_slice %arg7[%add3A_29, %dma_start3A_30] : memref<40x128xi32, #tpu.memory_space<vmem>> -> memref<1x128xi32, #tpu.memory_space<vmem>>
      %dma_start3A_32 = tpu.memref_squeeze %dma_start3A_31 : memref<1x128xi32, #tpu.memory_space<vmem>> -> memref<128xi32, #tpu.memory_space<vmem>>
      %dma_start3A_33 = arith.constant 0 : i32
      %dma_start3A_34 = arith.constant 0 : i32
      %dma_start3A_35 = tpu.memref_slice %arg2[%dma_start3A_33, %dma_start3A_34] : memref<10000x128xf32, #tpu.memory_space<hbm>> -> memref<10000x128xf32, #tpu.memory_space<hbm>>
      tpu.enqueue_indirect_dma source(%dma_start3A_35 : memref<10000x128xf32, #tpu.memory_space<hbm>>) target(%arg10 : memref<128x128xf32, #tpu.memory_space<vmem>>) offsets(%dma_start3A_32 : memref<128xi32, #tpu.memory_space<vmem>>) semaphore(%arg13 : memref<!tpu.dma_semaphore, #tpu.memory_space<semaphore_mem>>)
      %dma_wait3A = arith.constant 0 : i32
      %dma_wait3A_36 = tpu.memref_slice %arg7[%add3A_27, %dma_wait3A] : memref<40x128xi32, #tpu.memory_space<vmem>> -> memref<1x128xi32, #tpu.memory_space<vmem>>
      %dma_wait3A_37 = tpu.memref_squeeze %dma_wait3A_36 : memref<1x128xi32, #tpu.memory_space<vmem>> -> memref<128xi32, #tpu.memory_space<vmem>>
      %dma_wait3A_38 = arith.constant 0 : i32
      %dma_wait3A_39 = arith.constant 0 : i32
      %dma_wait3A_40 = tpu.memref_slice %arg2[%dma_wait3A_38, %dma_wait3A_39] : memref<10000x128xf32, #tpu.memory_space<hbm>> -> memref<10000x128xf32, #tpu.memory_space<hbm>>
      tpu.wait_indirect_dma semaphore(%arg12 : memref<!tpu.dma_semaphore, #tpu.memory_space<semaphore_mem>>) src(%dma_wait3A_40 : memref<10000x128xf32, #tpu.memory_space<hbm>>) dst(%arg9 : memref<128x128xf32, #tpu.memory_space<vmem>>)
      "tpu.region"() ({
        %run_scoped3A = tpu.sem_alloc : memref<!tpu.dma_semaphore, #tpu.memory_space<semaphore_mem>>
        %dma_start3A_55 = arith.constant 0 : i32
        %dma_start3A_56 = tpu.memref_slice %arg8[%add3A_27, %dma_start3A_55] : memref<40x128xi32, #tpu.memory_space<vmem>> -> memref<1x128xi32, #tpu.memory_space<vmem>>
        %dma_start3A_57 = tpu.memref_squeeze %dma_start3A_56 : memref<1x128xi32, #tpu.memory_space<vmem>> -> memref<128xi32, #tpu.memory_space<vmem>>
        %dma_start3A_58 = arith.constant 0 : i32
        %dma_start3A_59 = arith.constant 0 : i32
        %dma_start3A_60 = tpu.memref_slice %arg11[%dma_start3A_58, %dma_start3A_59] : memref<10112x128xf32, #tpu.memory_space<vmem_shared>> -> memref<10112x128xf32, #tpu.memory_space<vmem_shared>>
        tpu.enqueue_indirect_dma source(%arg9 : memref<128x128xf32, #tpu.memory_space<vmem>>) target(%dma_start3A_60 : memref<10112x128xf32, #tpu.memory_space<vmem_shared>>) offsets(%dma_start3A_57 : memref<128xi32, #tpu.memory_space<vmem>>) semaphore(%run_scoped3A : memref<!tpu.dma_semaphore, #tpu.memory_space<semaphore_mem>>) {add = true}
        %dma_wait3A_61 = arith.constant 0 : i32
        %dma_wait3A_62 = tpu.memref_slice %arg8[%add3A_27, %dma_wait3A_61] : memref<40x128xi32, #tpu.memory_space<vmem>> -> memref<1x128xi32, #tpu.memory_space<vmem>>
        %dma_wait3A_63 = tpu.memref_squeeze %dma_wait3A_62 : memref<1x128xi32, #tpu.memory_space<vmem>> -> memref<128xi32, #tpu.memory_space<vmem>>
        %dma_wait3A_64 = arith.constant 0 : i32
        %dma_wait3A_65 = arith.constant 0 : i32
        %dma_wait3A_66 = tpu.memref_slice %arg11[%dma_wait3A_64, %dma_wait3A_65] : memref<10112x128xf32, #tpu.memory_space<vmem_shared>> -> memref<10112x128xf32, #tpu.memory_space<vmem_shared>>
        tpu.wait_indirect_dma semaphore(%run_scoped3A : memref<!tpu.dma_semaphore, #tpu.memory_space<semaphore_mem>>) src(%arg9 : memref<128x128xf32, #tpu.memory_space<vmem>>) dst(%dma_wait3A_66 : memref<10112x128xf32, #tpu.memory_space<vmem_shared>>)
        tpu.yield
      }) : () -> ()
      %add3A_41 = arith.constant 2 : i32
      %add3A_42 = arith.addi %add3A_27, %add3A_41 : i32
      %lt3A = arith.constant 40 : i32
      %lt3A_43 = arith.cmpi slt, %add3A_42, %lt3A : i32
      %convert_element_type3A = arith.extui %lt3A_43 : i1 to i32
      %cond3A = arith.constant 0 : i32
      %cond3A_44 = arith.cmpi ne, %convert_element_type3A, %cond3A : i32
      scf.if %cond3A_44 {
        %add3A_55 = arith.constant 2 : i32
        %add3A_56 = arith.addi %add3A_27, %add3A_55 : i32
        %dma_start3A_57 = arith.constant 0 : i32
        %dma_start3A_58 = tpu.memref_slice %arg7[%add3A_56, %dma_start3A_57] : memref<40x128xi32, #tpu.memory_space<vmem>> -> memref<1x128xi32, #tpu.memory_space<vmem>>
        %dma_start3A_59 = tpu.memref_squeeze %dma_start3A_58 : memref<1x128xi32, #tpu.memory_space<vmem>> -> memref<128xi32, #tpu.memory_space<vmem>>
        %dma_start3A_60 = arith.constant 0 : i32
        %dma_start3A_61 = arith.constant 0 : i32
        %dma_start3A_62 = tpu.memref_slice %arg2[%dma_start3A_60, %dma_start3A_61] : memref<10000x128xf32, #tpu.memory_space<hbm>> -> memref<10000x128xf32, #tpu.memory_space<hbm>>
        tpu.enqueue_indirect_dma source(%dma_start3A_62 : memref<10000x128xf32, #tpu.memory_space<hbm>>) target(%arg9 : memref<128x128xf32, #tpu.memory_space<vmem>>) offsets(%dma_start3A_59 : memref<128xi32, #tpu.memory_space<vmem>>) semaphore(%arg12 : memref<!tpu.dma_semaphore, #tpu.memory_space<semaphore_mem>>)
      } else {
      }
      %add3A_45 = arith.constant 1 : i32
      %add3A_46 = arith.addi %add3A_27, %add3A_45 : i32
      %dma_wait3A_47 = arith.constant 0 : i32
      %dma_wait3A_48 = tpu.memref_slice %arg7[%add3A_46, %dma_wait3A_47] : memref<40x128xi32, #tpu.memory_space<vmem>> -> memref<1x128xi32, #tpu.memory_space<vmem>>
      %dma_wait3A_49 = tpu.memref_squeeze %dma_wait3A_48 : memref<1x128xi32, #tpu.memory_space<vmem>> -> memref<128xi32, #tpu.memory_space<vmem>>
      %dma_wait3A_50 = arith.constant 0 : i32
      %dma_wait3A_51 = arith.constant 0 : i32
      %dma_wait3A_52 = tpu.memref_slice %arg2[%dma_wait3A_50, %dma_wait3A_51] : memref<10000x128xf32, #tpu.memory_space<hbm>> -> memref<10000x128xf32, #tpu.memory_space<hbm>>
      tpu.wait_indirect_dma semaphore(%arg13 : memref<!tpu.dma_semaphore, #tpu.memory_space<semaphore_mem>>) src(%dma_wait3A_52 : memref<10000x128xf32, #tpu.memory_space<hbm>>) dst(%arg10 : memref<128x128xf32, #tpu.memory_space<vmem>>)
      %add3A_53 = arith.constant 1 : i32
      %add3A_54 = arith.addi %add3A_27, %add3A_53 : i32
      "tpu.region"() ({
        %run_scoped3A = tpu.sem_alloc : memref<!tpu.dma_semaphore, #tpu.memory_space<semaphore_mem>>
        %dma_start3A_55 = arith.constant 0 : i32
        %dma_start3A_56 = tpu.memref_slice %arg8[%add3A_54, %dma_start3A_55] : memref<40x128xi32, #tpu.memory_space<vmem>> -> memref<1x128xi32, #tpu.memory_space<vmem>>
        %dma_start3A_57 = tpu.memref_squeeze %dma_start3A_56 : memref<1x128xi32, #tpu.memory_space<vmem>> -> memref<128xi32, #tpu.memory_space<vmem>>
        %dma_start3A_58 = arith.constant 0 : i32
        %dma_start3A_59 = arith.constant 0 : i32
        %dma_start3A_60 = tpu.memref_slice %arg11[%dma_start3A_58, %dma_start3A_59] : memref<10112x128xf32, #tpu.memory_space<vmem_shared>> -> memref<10112x128xf32, #tpu.memory_space<vmem_shared>>
        tpu.enqueue_indirect_dma source(%arg10 : memref<128x128xf32, #tpu.memory_space<vmem>>) target(%dma_start3A_60 : memref<10112x128xf32, #tpu.memory_space<vmem_shared>>) offsets(%dma_start3A_57 : memref<128xi32, #tpu.memory_space<vmem>>) semaphore(%run_scoped3A : memref<!tpu.dma_semaphore, #tpu.memory_space<semaphore_mem>>) {add = true}
        %dma_wait3A_61 = arith.constant 0 : i32
        %dma_wait3A_62 = tpu.memref_slice %arg8[%add3A_54, %dma_wait3A_61] : memref<40x128xi32, #tpu.memory_space<vmem>> -> memref<1x128xi32, #tpu.memory_space<vmem>>
        %dma_wait3A_63 = tpu.memref_squeeze %dma_wait3A_62 : memref<1x128xi32, #tpu.memory_space<vmem>> -> memref<128xi32, #tpu.memory_space<vmem>>
        %dma_wait3A_64 = arith.constant 0 : i32
        %dma_wait3A_65 = arith.constant 0 : i32
        %dma_wait3A_66 = tpu.memref_slice %arg11[%dma_wait3A_64, %dma_wait3A_65] : memref<10112x128xf32, #tpu.memory_space<vmem_shared>> -> memref<10112x128xf32, #tpu.memory_space<vmem_shared>>
        tpu.wait_indirect_dma semaphore(%run_scoped3A : memref<!tpu.dma_semaphore, #tpu.memory_space<semaphore_mem>>) src(%arg10 : memref<128x128xf32, #tpu.memory_space<vmem>>) dst(%dma_wait3A_66 : memref<10112x128xf32, #tpu.memory_space<vmem_shared>>)
        tpu.yield
      }) : () -> ()
    }
    %scan3A_10 = arith.constant 20 : i32
    "tpu.region"() ({
      %run_scoped3A = tpu.sem_alloc : memref<!tpu.dma_semaphore, #tpu.memory_space<semaphore_mem>>
      %dma_start3A_24 = arith.constant 0 : i32
      %dma_start3A_25 = arith.constant 0 : i32
      %dma_start3A_26 = arith.constant 0 : i32
      %dma_start3A_27 = tpu.memref_slice %arg3[%arg0, %dma_start3A_24, %dma_start3A_25, %dma_start3A_26] : memref<2x16x80x128xi32, #tpu.memory_space<hbm>> -> memref<1x16x80x128xi32, #tpu.memory_space<hbm>>
      %dma_start3A_28 = tpu.memref_squeeze %dma_start3A_27 : memref<1x16x80x128xi32, #tpu.memory_space<hbm>> -> memref<16x80x128xi32, #tpu.memory_space<hbm>>
      %dma_start3A_29 = arith.constant 0 : i32
      %dma_start3A_30 = arith.constant 0 : i32
      %dma_start3A_31 = tpu.memref_slice %dma_start3A_28[%arg1, %dma_start3A_29, %dma_start3A_30] : memref<16x80x128xi32, #tpu.memory_space<hbm>> -> memref<1x80x128xi32, #tpu.memory_space<hbm>>
      %dma_start3A_32 = tpu.memref_squeeze %dma_start3A_31 : memref<1x80x128xi32, #tpu.memory_space<hbm>> -> memref<80x128xi32, #tpu.memory_space<hbm>>
      %dma_start3A_33 = arith.constant 40 : i32
      %dma_start3A_34 = arith.constant 0 : i32
      %dma_start3A_35 = tpu.memref_slice %dma_start3A_32[%dma_start3A_33, %dma_start3A_34] : memref<80x128xi32, #tpu.memory_space<hbm>> -> memref<40x128xi32, #tpu.memory_space<hbm>>
      %dma_start3A_36 = arith.constant 0 : i32
      %dma_start3A_37 = arith.constant 0 : i32
      %dma_start3A_38 = arith.constant 0 : i32
      %dma_start3A_39 = tpu.memref_slice %arg3[%arg0, %dma_start3A_36, %dma_start3A_37, %dma_start3A_38] : memref<2x16x80x128xi32, #tpu.memory_space<hbm>> -> memref<1x16x80x128xi32, #tpu.memory_space<hbm>>
      %dma_start3A_40 = tpu.memref_squeeze %dma_start3A_39 : memref<1x16x80x128xi32, #tpu.memory_space<hbm>> -> memref<16x80x128xi32, #tpu.memory_space<hbm>>
      %dma_start3A_41 = arith.constant 0 : i32
      %dma_start3A_42 = arith.constant 0 : i32
      %dma_start3A_43 = tpu.memref_slice %dma_start3A_40[%arg1, %dma_start3A_41, %dma_start3A_42] : memref<16x80x128xi32, #tpu.memory_space<hbm>> -> memref<1x80x128xi32, #tpu.memory_space<hbm>>
      %dma_start3A_44 = tpu.memref_squeeze %dma_start3A_43 : memref<1x80x128xi32, #tpu.memory_space<hbm>> -> memref<80x128xi32, #tpu.memory_space<hbm>>
      %dma_start3A_45 = arith.constant 40 : i32
      %dma_start3A_46 = arith.constant 0 : i32
      %dma_start3A_47 = tpu.memref_slice %dma_start3A_44[%dma_start3A_45, %dma_start3A_46] : memref<80x128xi32, #tpu.memory_space<hbm>> -> memref<40x128xi32, #tpu.memory_space<hbm>>
      tpu.enqueue_dma source(%dma_start3A_47 : memref<40x128xi32, #tpu.memory_space<hbm>>) target(%arg7 : memref<40x128xi32, #tpu.memory_space<vmem>>) target_semaphore(%run_scoped3A : memref<!tpu.dma_semaphore, #tpu.memory_space<semaphore_mem>>)
      %dma_wait3A = arith.constant 0 : i32
      %dma_wait3A_48 = arith.constant 0 : i32
      %dma_wait3A_49 = arith.constant 0 : i32
      %dma_wait3A_50 = tpu.memref_slice %arg3[%arg0, %dma_wait3A, %dma_wait3A_48, %dma_wait3A_49] : memref<2x16x80x128xi32, #tpu.memory_space<hbm>> -> memref<1x16x80x128xi32, #tpu.memory_space<hbm>>
      %dma_wait3A_51 = tpu.memref_squeeze %dma_wait3A_50 : memref<1x16x80x128xi32, #tpu.memory_space<hbm>> -> memref<16x80x128xi32, #tpu.memory_space<hbm>>
      %dma_wait3A_52 = arith.constant 0 : i32
      %dma_wait3A_53 = arith.constant 0 : i32
      %dma_wait3A_54 = tpu.memref_slice %dma_wait3A_51[%arg1, %dma_wait3A_52, %dma_wait3A_53] : memref<16x80x128xi32, #tpu.memory_space<hbm>> -> memref<1x80x128xi32, #tpu.memory_space<hbm>>
      %dma_wait3A_55 = tpu.memref_squeeze %dma_wait3A_54 : memref<1x80x128xi32, #tpu.memory_space<hbm>> -> memref<80x128xi32, #tpu.memory_space<hbm>>
      %dma_wait3A_56 = arith.constant 40 : i32
      %dma_wait3A_57 = arith.constant 0 : i32
      %dma_wait3A_58 = tpu.memref_slice %dma_wait3A_55[%dma_wait3A_56, %dma_wait3A_57] : memref<80x128xi32, #tpu.memory_space<hbm>> -> memref<40x128xi32, #tpu.memory_space<hbm>>
      %dma_wait3A_59 = arith.constant 0 : i32
      %dma_wait3A_60 = arith.constant 0 : i32
      %dma_wait3A_61 = arith.constant 0 : i32
      %dma_wait3A_62 = tpu.memref_slice %arg3[%arg0, %dma_wait3A_59, %dma_wait3A_60, %dma_wait3A_61] : memref<2x16x80x128xi32, #tpu.memory_space<hbm>> -> memref<1x16x80x128xi32, #tpu.memory_space<hbm>>
      %dma_wait3A_63 = tpu.memref_squeeze %dma_wait3A_62 : memref<1x16x80x128xi32, #tpu.memory_space<hbm>> -> memref<16x80x128xi32, #tpu.memory_space<hbm>>
      %dma_wait3A_64 = arith.constant 0 : i32
      %dma_wait3A_65 = arith.constant 0 : i32
      %dma_wait3A_66 = tpu.memref_slice %dma_wait3A_63[%arg1, %dma_wait3A_64, %dma_wait3A_65] : memref<16x80x128xi32, #tpu.memory_space<hbm>> -> memref<1x80x128xi32, #tpu.memory_space<hbm>>
      %dma_wait3A_67 = tpu.memref_squeeze %dma_wait3A_66 : memref<1x80x128xi32, #tpu.memory_space<hbm>> -> memref<80x128xi32, #tpu.memory_space<hbm>>
      %dma_wait3A_68 = arith.constant 40 : i32
      %dma_wait3A_69 = arith.constant 0 : i32
      %dma_wait3A_70 = tpu.memref_slice %dma_wait3A_67[%dma_wait3A_68, %dma_wait3A_69] : memref<80x128xi32, #tpu.memory_space<hbm>> -> memref<40x128xi32, #tpu.memory_space<hbm>>
      tpu.wait_dma2 semaphore(%run_scoped3A : memref<!tpu.dma_semaphore, #tpu.memory_space<semaphore_mem>>) src(%dma_wait3A_70 : memref<40x128xi32, #tpu.memory_space<hbm>>) dst(%arg7 : memref<40x128xi32, #tpu.memory_space<vmem>>)
      tpu.yield
    }) : () -> ()
    "tpu.region"() ({
      %run_scoped3A = tpu.sem_alloc : memref<!tpu.dma_semaphore, #tpu.memory_space<semaphore_mem>>
      %dma_start3A_24 = arith.constant 0 : i32
      %dma_start3A_25 = arith.constant 0 : i32
      %dma_start3A_26 = arith.constant 0 : i32
      %dma_start3A_27 = tpu.memref_slice %arg4[%arg0, %dma_start3A_24, %dma_start3A_25, %dma_start3A_26] : memref<2x16x80x128xi32, #tpu.memory_space<hbm>> -> memref<1x16x80x128xi32, #tpu.memory_space<hbm>>
      %dma_start3A_28 = tpu.memref_squeeze %dma_start3A_27 : memref<1x16x80x128xi32, #tpu.memory_space<hbm>> -> memref<16x80x128xi32, #tpu.memory_space<hbm>>
      %dma_start3A_29 = arith.constant 0 : i32
      %dma_start3A_30 = arith.constant 0 : i32
      %dma_start3A_31 = tpu.memref_slice %dma_start3A_28[%arg1, %dma_start3A_29, %dma_start3A_30] : memref<16x80x128xi32, #tpu.memory_space<hbm>> -> memref<1x80x128xi32, #tpu.memory_space<hbm>>
      %dma_start3A_32 = tpu.memref_squeeze %dma_start3A_31 : memref<1x80x128xi32, #tpu.memory_space<hbm>> -> memref<80x128xi32, #tpu.memory_space<hbm>>
      %dma_start3A_33 = arith.constant 40 : i32
      %dma_start3A_34 = arith.constant 0 : i32
      %dma_start3A_35 = tpu.memref_slice %dma_start3A_32[%dma_start3A_33, %dma_start3A_34] : memref<80x128xi32, #tpu.memory_space<hbm>> -> memref<40x128xi32, #tpu.memory_space<hbm>>
      %dma_start3A_36 = arith.constant 0 : i32
      %dma_start3A_37 = arith.constant 0 : i32
      %dma_start3A_38 = arith.constant 0 : i32
      %dma_start3A_39 = tpu.memref_slice %arg4[%arg0, %dma_start3A_36, %dma_start3A_37, %dma_start3A_38] : memref<2x16x80x128xi32, #tpu.memory_space<hbm>> -> memref<1x16x80x128xi32, #tpu.memory_space<hbm>>
      %dma_start3A_40 = tpu.memref_squeeze %dma_start3A_39 : memref<1x16x80x128xi32, #tpu.memory_space<hbm>> -> memref<16x80x128xi32, #tpu.memory_space<hbm>>
      %dma_start3A_41 = arith.constant 0 : i32
      %dma_start3A_42 = arith.constant 0 : i32
      %dma_start3A_43 = tpu.memref_slice %dma_start3A_40[%arg1, %dma_start3A_41, %dma_start3A_42] : memref<16x80x128xi32, #tpu.memory_space<hbm>> -> memref<1x80x128xi32, #tpu.memory_space<hbm>>
      %dma_start3A_44 = tpu.memref_squeeze %dma_start3A_43 : memref<1x80x128xi32, #tpu.memory_space<hbm>> -> memref<80x128xi32, #tpu.memory_space<hbm>>
      %dma_start3A_45 = arith.constant 40 : i32
      %dma_start3A_46 = arith.constant 0 : i32
      %dma_start3A_47 = tpu.memref_slice %dma_start3A_44[%dma_start3A_45, %dma_start3A_46] : memref<80x128xi32, #tpu.memory_space<hbm>> -> memref<40x128xi32, #tpu.memory_space<hbm>>
      tpu.enqueue_dma source(%dma_start3A_47 : memref<40x128xi32, #tpu.memory_space<hbm>>) target(%arg8 : memref<40x128xi32, #tpu.memory_space<vmem>>) target_semaphore(%run_scoped3A : memref<!tpu.dma_semaphore, #tpu.memory_space<semaphore_mem>>)
      %dma_wait3A = arith.constant 0 : i32
      %dma_wait3A_48 = arith.constant 0 : i32
      %dma_wait3A_49 = arith.constant 0 : i32
      %dma_wait3A_50 = tpu.memref_slice %arg4[%arg0, %dma_wait3A, %dma_wait3A_48, %dma_wait3A_49] : memref<2x16x80x128xi32, #tpu.memory_space<hbm>> -> memref<1x16x80x128xi32, #tpu.memory_space<hbm>>
      %dma_wait3A_51 = tpu.memref_squeeze %dma_wait3A_50 : memref<1x16x80x128xi32, #tpu.memory_space<hbm>> -> memref<16x80x128xi32, #tpu.memory_space<hbm>>
      %dma_wait3A_52 = arith.constant 0 : i32
      %dma_wait3A_53 = arith.constant 0 : i32
      %dma_wait3A_54 = tpu.memref_slice %dma_wait3A_51[%arg1, %dma_wait3A_52, %dma_wait3A_53] : memref<16x80x128xi32, #tpu.memory_space<hbm>> -> memref<1x80x128xi32, #tpu.memory_space<hbm>>
      %dma_wait3A_55 = tpu.memref_squeeze %dma_wait3A_54 : memref<1x80x128xi32, #tpu.memory_space<hbm>> -> memref<80x128xi32, #tpu.memory_space<hbm>>
      %dma_wait3A_56 = arith.constant 40 : i32
      %dma_wait3A_57 = arith.constant 0 : i32
      %dma_wait3A_58 = tpu.memref_slice %dma_wait3A_55[%dma_wait3A_56, %dma_wait3A_57] : memref<80x128xi32, #tpu.memory_space<hbm>> -> memref<40x128xi32, #tpu.memory_space<hbm>>
      %dma_wait3A_59 = arith.constant 0 : i32
      %dma_wait3A_60 = arith.constant 0 : i32
      %dma_wait3A_61 = arith.constant 0 : i32
      %dma_wait3A_62 = tpu.memref_slice %arg4[%arg0, %dma_wait3A_59, %dma_wait3A_60, %dma_wait3A_61] : memref<2x16x80x128xi32, #tpu.memory_space<hbm>> -> memref<1x16x80x128xi32, #tpu.memory_space<hbm>>
      %dma_wait3A_63 = tpu.memref_squeeze %dma_wait3A_62 : memref<1x16x80x128xi32, #tpu.memory_space<hbm>> -> memref<16x80x128xi32, #tpu.memory_space<hbm>>
      %dma_wait3A_64 = arith.constant 0 : i32
      %dma_wait3A_65 = arith.constant 0 : i32
      %dma_wait3A_66 = tpu.memref_slice %dma_wait3A_63[%arg1, %dma_wait3A_64, %dma_wait3A_65] : memref<16x80x128xi32, #tpu.memory_space<hbm>> -> memref<1x80x128xi32, #tpu.memory_space<hbm>>
      %dma_wait3A_67 = tpu.memref_squeeze %dma_wait3A_66 : memref<1x80x128xi32, #tpu.memory_space<hbm>> -> memref<80x128xi32, #tpu.memory_space<hbm>>
      %dma_wait3A_68 = arith.constant 40 : i32
      %dma_wait3A_69 = arith.constant 0 : i32
      %dma_wait3A_70 = tpu.memref_slice %dma_wait3A_67[%dma_wait3A_68, %dma_wait3A_69] : memref<80x128xi32, #tpu.memory_space<hbm>> -> memref<40x128xi32, #tpu.memory_space<hbm>>
      tpu.wait_dma2 semaphore(%run_scoped3A : memref<!tpu.dma_semaphore, #tpu.memory_space<semaphore_mem>>) src(%dma_wait3A_70 : memref<40x128xi32, #tpu.memory_space<hbm>>) dst(%arg8 : memref<40x128xi32, #tpu.memory_space<vmem>>)
      tpu.yield
    }) : () -> ()
    %dma_start3A_11 = arith.constant 0 : i32
    %dma_start3A_12 = arith.constant 0 : i32
    %dma_start3A_13 = tpu.memref_slice %arg7[%dma_start3A_11, %dma_start3A_12] : memref<40x128xi32, #tpu.memory_space<vmem>> -> memref<1x128xi32, #tpu.memory_space<vmem>>
    %dma_start3A_14 = tpu.memref_squeeze %dma_start3A_13 : memref<1x128xi32, #tpu.memory_space<vmem>> -> memref<128xi32, #tpu.memory_space<vmem>>
    %dma_start3A_15 = arith.constant 0 : i32
    %dma_start3A_16 = arith.constant 0 : i32
    %dma_start3A_17 = tpu.memref_slice %arg2[%dma_start3A_15, %dma_start3A_16] : memref<10000x128xf32, #tpu.memory_space<hbm>> -> memref<10000x128xf32, #tpu.memory_space<hbm>>
    tpu.enqueue_indirect_dma source(%dma_start3A_17 : memref<10000x128xf32, #tpu.memory_space<hbm>>) target(%arg9 : memref<128x128xf32, #tpu.memory_space<vmem>>) offsets(%dma_start3A_14 : memref<128xi32, #tpu.memory_space<vmem>>) semaphore(%arg12 : memref<!tpu.dma_semaphore, #tpu.memory_space<semaphore_mem>>)
    %scan3A_18 = arith.constant 0 : i32
    %scan3A_19 = arith.constant 20 : i32
    %scan3A_20 = arith.addi %scan3A_18, %scan3A_19 : i32
    %scan3A_21 = arith.constant 1 : i32
    scf.for %scan3A_24 = %scan3A_18 to %scan3A_20 step %scan3A_21  : i32 {
      %mul3A_25 = arith.constant 2 : i32
      %mul3A_26 = arith.muli %scan3A_24, %mul3A_25 : i32
      %add3A = arith.constant 0 : i32
      %add3A_27 = arith.addi %add3A, %mul3A_26 : i32
      %add3A_28 = arith.constant 1 : i32
      %add3A_29 = arith.addi %add3A_27, %add3A_28 : i32
      %dma_start3A_30 = arith.constant 0 : i32
      %dma_start3A_31 = tpu.memref_slice %arg7[%add3A_29, %dma_start3A_30] : memref<40x128xi32, #tpu.memory_space<vmem>> -> memref<1x128xi32, #tpu.memory_space<vmem>>
      %dma_start3A_32 = tpu.memref_squeeze %dma_start3A_31 : memref<1x128xi32, #tpu.memory_space<vmem>> -> memref<128xi32, #tpu.memory_space<vmem>>
      %dma_start3A_33 = arith.constant 0 : i32
      %dma_start3A_34 = arith.constant 0 : i32
      %dma_start3A_35 = tpu.memref_slice %arg2[%dma_start3A_33, %dma_start3A_34] : memref<10000x128xf32, #tpu.memory_space<hbm>> -> memref<10000x128xf32, #tpu.memory_space<hbm>>
      tpu.enqueue_indirect_dma source(%dma_start3A_35 : memref<10000x128xf32, #tpu.memory_space<hbm>>) target(%arg10 : memref<128x128xf32, #tpu.memory_space<vmem>>) offsets(%dma_start3A_32 : memref<128xi32, #tpu.memory_space<vmem>>) semaphore(%arg13 : memref<!tpu.dma_semaphore, #tpu.memory_space<semaphore_mem>>)
      %dma_wait3A = arith.constant 0 : i32
      %dma_wait3A_36 = tpu.memref_slice %arg7[%add3A_27, %dma_wait3A] : memref<40x128xi32, #tpu.memory_space<vmem>> -> memref<1x128xi32, #tpu.memory_space<vmem>>
      %dma_wait3A_37 = tpu.memref_squeeze %dma_wait3A_36 : memref<1x128xi32, #tpu.memory_space<vmem>> -> memref<128xi32, #tpu.memory_space<vmem>>
      %dma_wait3A_38 = arith.constant 0 : i32
      %dma_wait3A_39 = arith.constant 0 : i32
      %dma_wait3A_40 = tpu.memref_slice %arg2[%dma_wait3A_38, %dma_wait3A_39] : memref<10000x128xf32, #tpu.memory_space<hbm>> -> memref<10000x128xf32, #tpu.memory_space<hbm>>
      tpu.wait_indirect_dma semaphore(%arg12 : memref<!tpu.dma_semaphore, #tpu.memory_space<semaphore_mem>>) src(%dma_wait3A_40 : memref<10000x128xf32, #tpu.memory_space<hbm>>) dst(%arg9 : memref<128x128xf32, #tpu.memory_space<vmem>>)
      "tpu.region"() ({
        %run_scoped3A = tpu.sem_alloc : memref<!tpu.dma_semaphore, #tpu.memory_space<semaphore_mem>>
        %dma_start3A_55 = arith.constant 0 : i32
        %dma_start3A_56 = tpu.memref_slice %arg8[%add3A_27, %dma_start3A_55] : memref<40x128xi32, #tpu.memory_space<vmem>> -> memref<1x128xi32, #tpu.memory_space<vmem>>
        %dma_start3A_57 = tpu.memref_squeeze %dma_start3A_56 : memref<1x128xi32, #tpu.memory_space<vmem>> -> memref<128xi32, #tpu.memory_space<vmem>>
        %dma_start3A_58 = arith.constant 0 : i32
        %dma_start3A_59 = arith.constant 0 : i32
        %dma_start3A_60 = tpu.memref_slice %arg11[%dma_start3A_58, %dma_start3A_59] : memref<10112x128xf32, #tpu.memory_space<vmem_shared>> -> memref<10112x128xf32, #tpu.memory_space<vmem_shared>>
        tpu.enqueue_indirect_dma source(%arg9 : memref<128x128xf32, #tpu.memory_space<vmem>>) target(%dma_start3A_60 : memref<10112x128xf32, #tpu.memory_space<vmem_shared>>) offsets(%dma_start3A_57 : memref<128xi32, #tpu.memory_space<vmem>>) semaphore(%run_scoped3A : memref<!tpu.dma_semaphore, #tpu.memory_space<semaphore_mem>>) {add = true}
        %dma_wait3A_61 = arith.constant 0 : i32
        %dma_wait3A_62 = tpu.memref_slice %arg8[%add3A_27, %dma_wait3A_61] : memref<40x128xi32, #tpu.memory_space<vmem>> -> memref<1x128xi32, #tpu.memory_space<vmem>>
        %dma_wait3A_63 = tpu.memref_squeeze %dma_wait3A_62 : memref<1x128xi32, #tpu.memory_space<vmem>> -> memref<128xi32, #tpu.memory_space<vmem>>
        %dma_wait3A_64 = arith.constant 0 : i32
        %dma_wait3A_65 = arith.constant 0 : i32
        %dma_wait3A_66 = tpu.memref_slice %arg11[%dma_wait3A_64, %dma_wait3A_65] : memref<10112x128xf32, #tpu.memory_space<vmem_shared>> -> memref<10112x128xf32, #tpu.memory_space<vmem_shared>>
        tpu.wait_indirect_dma semaphore(%run_scoped3A : memref<!tpu.dma_semaphore, #tpu.memory_space<semaphore_mem>>) src(%arg9 : memref<128x128xf32, #tpu.memory_space<vmem>>) dst(%dma_wait3A_66 : memref<10112x128xf32, #tpu.memory_space<vmem_shared>>)
        tpu.yield
      }) : () -> ()
      %add3A_41 = arith.constant 2 : i32
      %add3A_42 = arith.addi %add3A_27, %add3A_41 : i32
      %lt3A = arith.constant 40 : i32
      %lt3A_43 = arith.cmpi slt, %add3A_42, %lt3A : i32
      %convert_element_type3A = arith.extui %lt3A_43 : i1 to i32
      %cond3A = arith.constant 0 : i32
      %cond3A_44 = arith.cmpi ne, %convert_element_type3A, %cond3A : i32
      scf.if %cond3A_44 {
        %add3A_55 = arith.constant 2 : i32
        %add3A_56 = arith.addi %add3A_27, %add3A_55 : i32
        %dma_start3A_57 = arith.constant 0 : i32
        %dma_start3A_58 = tpu.memref_slice %arg7[%add3A_56, %dma_start3A_57] : memref<40x128xi32, #tpu.memory_space<vmem>> -> memref<1x128xi32, #tpu.memory_space<vmem>>
        %dma_start3A_59 = tpu.memref_squeeze %dma_start3A_58 : memref<1x128xi32, #tpu.memory_space<vmem>> -> memref<128xi32, #tpu.memory_space<vmem>>
        %dma_start3A_60 = arith.constant 0 : i32
        %dma_start3A_61 = arith.constant 0 : i32
        %dma_start3A_62 = tpu.memref_slice %arg2[%dma_start3A_60, %dma_start3A_61] : memref<10000x128xf32, #tpu.memory_space<hbm>> -> memref<10000x128xf32, #tpu.memory_space<hbm>>
        tpu.enqueue_indirect_dma source(%dma_start3A_62 : memref<10000x128xf32, #tpu.memory_space<hbm>>) target(%arg9 : memref<128x128xf32, #tpu.memory_space<vmem>>) offsets(%dma_start3A_59 : memref<128xi32, #tpu.memory_space<vmem>>) semaphore(%arg12 : memref<!tpu.dma_semaphore, #tpu.memory_space<semaphore_mem>>)
      } else {
      }
      %add3A_45 = arith.constant 1 : i32
      %add3A_46 = arith.addi %add3A_27, %add3A_45 : i32
      %dma_wait3A_47 = arith.constant 0 : i32
      %dma_wait3A_48 = tpu.memref_slice %arg7[%add3A_46, %dma_wait3A_47] : memref<40x128xi32, #tpu.memory_space<vmem>> -> memref<1x128xi32, #tpu.memory_space<vmem>>
      %dma_wait3A_49 = tpu.memref_squeeze %dma_wait3A_48 : memref<1x128xi32, #tpu.memory_space<vmem>> -> memref<128xi32, #tpu.memory_space<vmem>>
      %dma_wait3A_50 = arith.constant 0 : i32
      %dma_wait3A_51 = arith.constant 0 : i32
      %dma_wait3A_52 = tpu.memref_slice %arg2[%dma_wait3A_50, %dma_wait3A_51] : memref<10000x128xf32, #tpu.memory_space<hbm>> -> memref<10000x128xf32, #tpu.memory_space<hbm>>
      tpu.wait_indirect_dma semaphore(%arg13 : memref<!tpu.dma_semaphore, #tpu.memory_space<semaphore_mem>>) src(%dma_wait3A_52 : memref<10000x128xf32, #tpu.memory_space<hbm>>) dst(%arg10 : memref<128x128xf32, #tpu.memory_space<vmem>>)
      %add3A_53 = arith.constant 1 : i32
      %add3A_54 = arith.addi %add3A_27, %add3A_53 : i32
      "tpu.region"() ({
        %run_scoped3A = tpu.sem_alloc : memref<!tpu.dma_semaphore, #tpu.memory_space<semaphore_mem>>
        %dma_start3A_55 = arith.constant 0 : i32
        %dma_start3A_56 = tpu.memref_slice %arg8[%add3A_54, %dma_start3A_55] : memref<40x128xi32, #tpu.memory_space<vmem>> -> memref<1x128xi32, #tpu.memory_space<vmem>>
        %dma_start3A_57 = tpu.memref_squeeze %dma_start3A_56 : memref<1x128xi32, #tpu.memory_space<vmem>> -> memref<128xi32, #tpu.memory_space<vmem>>
        %dma_start3A_58 = arith.constant 0 : i32
        %dma_start3A_59 = arith.constant 0 : i32
        %dma_start3A_60 = tpu.memref_slice %arg11[%dma_start3A_58, %dma_start3A_59] : memref<10112x128xf32, #tpu.memory_space<vmem_shared>> -> memref<10112x128xf32, #tpu.memory_space<vmem_shared>>
        tpu.enqueue_indirect_dma source(%arg10 : memref<128x128xf32, #tpu.memory_space<vmem>>) target(%dma_start3A_60 : memref<10112x128xf32, #tpu.memory_space<vmem_shared>>) offsets(%dma_start3A_57 : memref<128xi32, #tpu.memory_space<vmem>>) semaphore(%run_scoped3A : memref<!tpu.dma_semaphore, #tpu.memory_space<semaphore_mem>>) {add = true}
        %dma_wait3A_61 = arith.constant 0 : i32
        %dma_wait3A_62 = tpu.memref_slice %arg8[%add3A_54, %dma_wait3A_61] : memref<40x128xi32, #tpu.memory_space<vmem>> -> memref<1x128xi32, #tpu.memory_space<vmem>>
        %dma_wait3A_63 = tpu.memref_squeeze %dma_wait3A_62 : memref<1x128xi32, #tpu.memory_space<vmem>> -> memref<128xi32, #tpu.memory_space<vmem>>
        %dma_wait3A_64 = arith.constant 0 : i32
        %dma_wait3A_65 = arith.constant 0 : i32
        %dma_wait3A_66 = tpu.memref_slice %arg11[%dma_wait3A_64, %dma_wait3A_65] : memref<10112x128xf32, #tpu.memory_space<vmem_shared>> -> memref<10112x128xf32, #tpu.memory_space<vmem_shared>>
        tpu.wait_indirect_dma semaphore(%run_scoped3A : memref<!tpu.dma_semaphore, #tpu.memory_space<semaphore_mem>>) src(%arg10 : memref<128x128xf32, #tpu.memory_space<vmem>>) dst(%dma_wait3A_66 : memref<10112x128xf32, #tpu.memory_space<vmem_shared>>)
        tpu.yield
      }) : () -> ()
    }
    %scan3A_22 = arith.constant 20 : i32
    %barrier3A_23 = arith.constant 0 : index
    tpu.barrier barrier_id(%barrier3A_23)
    "tpu.region"() ({
      %run_scoped3A = tpu.sem_alloc : memref<!tpu.dma_semaphore, #tpu.memory_space<semaphore_mem>>
      %dma_start3A_24 = arith.constant 0 : i32
      %dma_start3A_25 = arith.constant 0 : i32
      %dma_start3A_26 = tpu.memref_slice %arg6[%arg0, %dma_start3A_24, %dma_start3A_25] : memref<2x10112x128xf32, #tpu.memory_space<hbm>> -> memref<1x10112x128xf32, #tpu.memory_space<hbm>>
      %dma_start3A_27 = tpu.memref_squeeze %dma_start3A_26 : memref<1x10112x128xf32, #tpu.memory_space<hbm>> -> memref<10112x128xf32, #tpu.memory_space<hbm>>
      %dma_start3A_28 = arith.constant 0 : i32
      %dma_start3A_29 = tpu.memref_slice %dma_start3A_27[%mul3A_0, %dma_start3A_28] : memref<10112x128xf32, #tpu.memory_space<hbm>> -> memref<632x128xf32, #tpu.memory_space<hbm>>
      %dma_start3A_30 = arith.constant 0 : i32
      %dma_start3A_31 = tpu.memref_slice %arg11[%mul3A_0, %dma_start3A_30] : memref<10112x128xf32, #tpu.memory_space<vmem_shared>> -> memref<632x128xf32, #tpu.memory_space<vmem_shared>>
      tpu.enqueue_dma source(%dma_start3A_31 : memref<632x128xf32, #tpu.memory_space<vmem_shared>>) target(%dma_start3A_29 : memref<632x128xf32, #tpu.memory_space<hbm>>) target_semaphore(%run_scoped3A : memref<!tpu.dma_semaphore, #tpu.memory_space<semaphore_mem>>)
      %dma_wait3A = arith.constant 0 : i32
      %dma_wait3A_32 = arith.constant 0 : i32
      %dma_wait3A_33 = tpu.memref_slice %arg6[%arg0, %dma_wait3A, %dma_wait3A_32] : memref<2x10112x128xf32, #tpu.memory_space<hbm>> -> memref<1x10112x128xf32, #tpu.memory_space<hbm>>
      %dma_wait3A_34 = tpu.memref_squeeze %dma_wait3A_33 : memref<1x10112x128xf32, #tpu.memory_space<hbm>> -> memref<10112x128xf32, #tpu.memory_space<hbm>>
      %dma_wait3A_35 = arith.constant 0 : i32
      %dma_wait3A_36 = tpu.memref_slice %dma_wait3A_34[%mul3A_0, %dma_wait3A_35] : memref<10112x128xf32, #tpu.memory_space<hbm>> -> memref<632x128xf32, #tpu.memory_space<hbm>>
      %dma_wait3A_37 = arith.constant 0 : i32
      %dma_wait3A_38 = tpu.memref_slice %arg11[%mul3A_0, %dma_wait3A_37] : memref<10112x128xf32, #tpu.memory_space<vmem_shared>> -> memref<632x128xf32, #tpu.memory_space<vmem_shared>>
      tpu.wait_dma2 semaphore(%run_scoped3A : memref<!tpu.dma_semaphore, #tpu.memory_space<semaphore_mem>>) src(%dma_wait3A_38 : memref<632x128xf32, #tpu.memory_space<vmem_shared>>) dst(%dma_wait3A_36 : memref<632x128xf32, #tpu.memory_space<hbm>>)
      tpu.yield
    }) : () -> ()
    return
  }
}

#map = affine_map<(d0, d1) -> (0, 0)>
#map1 = affine_map<(d0, d1) -> (0, 0, 0, 0)>
#map2 = affine_map<(d0, d1) -> (0, 0, 0)>
module attributes {stable_mosaic.version = 14 : i64} {
  func.func @_agg_kernel(%arg0: i32, %arg1: i32, %arg2: memref<10000x128xf32, #tpu.memory_space<hbm>>, %arg3: memref<2x16x80x128xi32, #tpu.memory_space<hbm>>, %arg4: memref<2x16x80x128xi32, #tpu.memory_space<hbm>>, %arg5: memref<632x128xf32, #tpu.memory_space<hbm>>, %arg6: memref<2x10112x128xf32, #tpu.memory_space<hbm>>, %arg7: memref<40x128xi32, #tpu.memory_space<vmem>>, %arg8: memref<40x128xi32, #tpu.memory_space<vmem>>, %arg9: memref<128x128xf32, #tpu.memory_space<vmem>>, %arg10: memref<128x128xf32, #tpu.memory_space<vmem>>, %arg11: memref<10112x128xf32, #tpu.memory_space<vmem_shared>>, %arg12: memref<!tpu.dma_semaphore, #tpu.memory_space<semaphore_mem>>, %arg13: memref<!tpu.dma_semaphore, #tpu.memory_space<semaphore_mem>>) attributes {dimension_semantics = [#tpu.dimension_semantics<core_parallel>, #tpu.dimension_semantics<subcore_parallel>], iteration_bounds = array<i64: 2, 16>, scalar_prefetch = 0 : i64, scratch_operands = 7 : i64, tpu.core_type = #tpu.core_type<sc_vector_subcore>, window_params = [{transform_indices = #map}, {transform_indices = #map1}, {transform_indices = #map1}, {transform_indices = #map}, {transform_indices = #map2}]} {
    %mul3A = arith.constant 632 : i32
    %mul3A_0 = arith.muli %arg1, %mul3A : i32
    "tpu.region"() ({
      %run_scoped3A = tpu.sem_alloc : memref<!tpu.dma_semaphore, #tpu.memory_space<semaphore_mem>>
      %dma_start3A_24 = arith.constant 0 : i32
      %dma_start3A_25 = tpu.memref_slice %arg11[%mul3A_0, %dma_start3A_24] : memref<10112x128xf32, #tpu.memory_space<vmem_shared>> -> memref<632x128xf32, #tpu.memory_space<vmem_shared>>
      tpu.enqueue_dma source(%arg5 : memref<632x128xf32, #tpu.memory_space<hbm>>) target(%dma_start3A_25 : memref<632x128xf32, #tpu.memory_space<vmem_shared>>) target_semaphore(%run_scoped3A : memref<!tpu.dma_semaphore, #tpu.memory_space<semaphore_mem>>)
      %dma_wait3A = arith.constant 0 : i32
      %dma_wait3A_26 = tpu.memref_slice %arg11[%mul3A_0, %dma_wait3A] : memref<10112x128xf32, #tpu.memory_space<vmem_shared>> -> memref<632x128xf32, #tpu.memory_space<vmem_shared>>
      tpu.wait_dma2 semaphore(%run_scoped3A : memref<!tpu.dma_semaphore, #tpu.memory_space<semaphore_mem>>) src(%arg5 : memref<632x128xf32, #tpu.memory_space<hbm>>) dst(%dma_wait3A_26 : memref<632x128xf32, #tpu.memory_space<vmem_shared>>)
      tpu.yield
    }) : () -> ()
    "tpu.region"() ({
      %run_scoped3A = tpu.sem_alloc : memref<!tpu.dma_semaphore, #tpu.memory_space<semaphore_mem>>
      %dma_start3A_24 = arith.constant 0 : i32
      %dma_start3A_25 = arith.constant 0 : i32
      %dma_start3A_26 = arith.constant 0 : i32
      %dma_start3A_27 = tpu.memref_slice %arg3[%arg0, %dma_start3A_24, %dma_start3A_25, %dma_start3A_26] : memref<2x16x80x128xi32, #tpu.memory_space<hbm>> -> memref<1x16x80x128xi32, #tpu.memory_space<hbm>>
      %dma_start3A_28 = tpu.memref_squeeze %dma_start3A_27 : memref<1x16x80x128xi32, #tpu.memory_space<hbm>> -> memref<16x80x128xi32, #tpu.memory_space<hbm>>
      %dma_start3A_29 = arith.constant 0 : i32
      %dma_start3A_30 = arith.constant 0 : i32
      %dma_start3A_31 = tpu.memref_slice %dma_start3A_28[%arg1, %dma_start3A_29, %dma_start3A_30] : memref<16x80x128xi32, #tpu.memory_space<hbm>> -> memref<1x80x128xi32, #tpu.memory_space<hbm>>
      %dma_start3A_32 = tpu.memref_squeeze %dma_start3A_31 : memref<1x80x128xi32, #tpu.memory_space<hbm>> -> memref<80x128xi32, #tpu.memory_space<hbm>>
      %dma_start3A_33 = arith.constant 0 : i32
      %dma_start3A_34 = arith.constant 0 : i32
      %dma_start3A_35 = tpu.memref_slice %dma_start3A_32[%dma_start3A_33, %dma_start3A_34] : memref<80x128xi32, #tpu.memory_space<hbm>> -> memref<40x128xi32, #tpu.memory_space<hbm>>
      %dma_start3A_36 = arith.constant 0 : i32
      %dma_start3A_37 = arith.constant 0 : i32
      %dma_start3A_38 = arith.constant 0 : i32
      %dma_start3A_39 = tpu.memref_slice %arg3[%arg0, %dma_start3A_36, %dma_start3A_37, %dma_start3A_38] : memref<2x16x80x128xi32, #tpu.memory_space<hbm>> -> memref<1x16x80x128xi32, #tpu.memory_space<hbm>>
      %dma_start3A_40 = tpu.memref_squeeze %dma_start3A_39 : memref<1x16x80x128xi32, #tpu.memory_space<hbm>> -> memref<16x80x128xi32, #tpu.memory_space<hbm>>
      %dma_start3A_41 = arith.constant 0 : i32
      %dma_start3A_42 = arith.constant 0 : i32
      %dma_start3A_43 = tpu.memref_slice %dma_start3A_40[%arg1, %dma_start3A_41, %dma_start3A_42] : memref<16x80x128xi32, #tpu.memory_space<hbm>> -> memref<1x80x128xi32, #tpu.memory_space<hbm>>
      %dma_start3A_44 = tpu.memref_squeeze %dma_start3A_43 : memref<1x80x128xi32, #tpu.memory_space<hbm>> -> memref<80x128xi32, #tpu.memory_space<hbm>>
      %dma_start3A_45 = arith.constant 0 : i32
      %dma_start3A_46 = arith.constant 0 : i32
      %dma_start3A_47 = tpu.memref_slice %dma_start3A_44[%dma_start3A_45, %dma_start3A_46] : memref<80x128xi32, #tpu.memory_space<hbm>> -> memref<40x128xi32, #tpu.memory_space<hbm>>
      tpu.enqueue_dma source(%dma_start3A_47 : memref<40x128xi32, #tpu.memory_space<hbm>>) target(%arg7 : memref<40x128xi32, #tpu.memory_space<vmem>>) target_semaphore(%run_scoped3A : memref<!tpu.dma_semaphore, #tpu.memory_space<semaphore_mem>>)
      %dma_wait3A = arith.constant 0 : i32
      %dma_wait3A_48 = arith.constant 0 : i32
      %dma_wait3A_49 = arith.constant 0 : i32
      %dma_wait3A_50 = tpu.memref_slice %arg3[%arg0, %dma_wait3A, %dma_wait3A_48, %dma_wait3A_49] : memref<2x16x80x128xi32, #tpu.memory_space<hbm>> -> memref<1x16x80x128xi32, #tpu.memory_space<hbm>>
      %dma_wait3A_51 = tpu.memref_squeeze %dma_wait3A_50 : memref<1x16x80x128xi32, #tpu.memory_space<hbm>> -> memref<16x80x128xi32, #tpu.memory_space<hbm>>
      %dma_wait3A_52 = arith.constant 0 : i32
      %dma_wait3A_53 = arith.constant 0 : i32
      %dma_wait3A_54 = tpu.memref_slice %dma_wait3A_51[%arg1, %dma_wait3A_52, %dma_wait3A_53] : memref<16x80x128xi32, #tpu.memory_space<hbm>> -> memref<1x80x128xi32, #tpu.memory_space<hbm>>
      %dma_wait3A_55 = tpu.memref_squeeze %dma_wait3A_54 : memref<1x80x128xi32, #tpu.memory_space<hbm>> -> memref<80x128xi32, #tpu.memory_space<hbm>>
      %dma_wait3A_56 = arith.constant 0 : i32
      %dma_wait3A_57 = arith.constant 0 : i32
      %dma_wait3A_58 = tpu.memref_slice %dma_wait3A_55[%dma_wait3A_56, %dma_wait3A_57] : memref<80x128xi32, #tpu.memory_space<hbm>> -> memref<40x128xi32, #tpu.memory_space<hbm>>
      %dma_wait3A_59 = arith.constant 0 : i32
      %dma_wait3A_60 = arith.constant 0 : i32
      %dma_wait3A_61 = arith.constant 0 : i32
      %dma_wait3A_62 = tpu.memref_slice %arg3[%arg0, %dma_wait3A_59, %dma_wait3A_60, %dma_wait3A_61] : memref<2x16x80x128xi32, #tpu.memory_space<hbm>> -> memref<1x16x80x128xi32, #tpu.memory_space<hbm>>
      %dma_wait3A_63 = tpu.memref_squeeze %dma_wait3A_62 : memref<1x16x80x128xi32, #tpu.memory_space<hbm>> -> memref<16x80x128xi32, #tpu.memory_space<hbm>>
      %dma_wait3A_64 = arith.constant 0 : i32
      %dma_wait3A_65 = arith.constant 0 : i32
      %dma_wait3A_66 = tpu.memref_slice %dma_wait3A_63[%arg1, %dma_wait3A_64, %dma_wait3A_65] : memref<16x80x128xi32, #tpu.memory_space<hbm>> -> memref<1x80x128xi32, #tpu.memory_space<hbm>>
      %dma_wait3A_67 = tpu.memref_squeeze %dma_wait3A_66 : memref<1x80x128xi32, #tpu.memory_space<hbm>> -> memref<80x128xi32, #tpu.memory_space<hbm>>
      %dma_wait3A_68 = arith.constant 0 : i32
      %dma_wait3A_69 = arith.constant 0 : i32
      %dma_wait3A_70 = tpu.memref_slice %dma_wait3A_67[%dma_wait3A_68, %dma_wait3A_69] : memref<80x128xi32, #tpu.memory_space<hbm>> -> memref<40x128xi32, #tpu.memory_space<hbm>>
      tpu.wait_dma2 semaphore(%run_scoped3A : memref<!tpu.dma_semaphore, #tpu.memory_space<semaphore_mem>>) src(%dma_wait3A_70 : memref<40x128xi32, #tpu.memory_space<hbm>>) dst(%arg7 : memref<40x128xi32, #tpu.memory_space<vmem>>)
      tpu.yield
    }) : () -> ()
    "tpu.region"() ({
      %run_scoped3A = tpu.sem_alloc : memref<!tpu.dma_semaphore, #tpu.memory_space<semaphore_mem>>
      %dma_start3A_24 = arith.constant 0 : i32
      %dma_start3A_25 = arith.constant 0 : i32
      %dma_start3A_26 = arith.constant 0 : i32
      %dma_start3A_27 = tpu.memref_slice %arg4[%arg0, %dma_start3A_24, %dma_start3A_25, %dma_start3A_26] : memref<2x16x80x128xi32, #tpu.memory_space<hbm>> -> memref<1x16x80x128xi32, #tpu.memory_space<hbm>>
      %dma_start3A_28 = tpu.memref_squeeze %dma_start3A_27 : memref<1x16x80x128xi32, #tpu.memory_space<hbm>> -> memref<16x80x128xi32, #tpu.memory_space<hbm>>
      %dma_start3A_29 = arith.constant 0 : i32
      %dma_start3A_30 = arith.constant 0 : i32
      %dma_start3A_31 = tpu.memref_slice %dma_start3A_28[%arg1, %dma_start3A_29, %dma_start3A_30] : memref<16x80x128xi32, #tpu.memory_space<hbm>> -> memref<1x80x128xi32, #tpu.memory_space<hbm>>
      %dma_start3A_32 = tpu.memref_squeeze %dma_start3A_31 : memref<1x80x128xi32, #tpu.memory_space<hbm>> -> memref<80x128xi32, #tpu.memory_space<hbm>>
      %dma_start3A_33 = arith.constant 0 : i32
      %dma_start3A_34 = arith.constant 0 : i32
      %dma_start3A_35 = tpu.memref_slice %dma_start3A_32[%dma_start3A_33, %dma_start3A_34] : memref<80x128xi32, #tpu.memory_space<hbm>> -> memref<40x128xi32, #tpu.memory_space<hbm>>
      %dma_start3A_36 = arith.constant 0 : i32
      %dma_start3A_37 = arith.constant 0 : i32
      %dma_start3A_38 = arith.constant 0 : i32
      %dma_start3A_39 = tpu.memref_slice %arg4[%arg0, %dma_start3A_36, %dma_start3A_37, %dma_start3A_38] : memref<2x16x80x128xi32, #tpu.memory_space<hbm>> -> memref<1x16x80x128xi32, #tpu.memory_space<hbm>>
      %dma_start3A_40 = tpu.memref_squeeze %dma_start3A_39 : memref<1x16x80x128xi32, #tpu.memory_space<hbm>> -> memref<16x80x128xi32, #tpu.memory_space<hbm>>
      %dma_start3A_41 = arith.constant 0 : i32
      %dma_start3A_42 = arith.constant 0 : i32
      %dma_start3A_43 = tpu.memref_slice %dma_start3A_40[%arg1, %dma_start3A_41, %dma_start3A_42] : memref<16x80x128xi32, #tpu.memory_space<hbm>> -> memref<1x80x128xi32, #tpu.memory_space<hbm>>
      %dma_start3A_44 = tpu.memref_squeeze %dma_start3A_43 : memref<1x80x128xi32, #tpu.memory_space<hbm>> -> memref<80x128xi32, #tpu.memory_space<hbm>>
      %dma_start3A_45 = arith.constant 0 : i32
      %dma_start3A_46 = arith.constant 0 : i32
      %dma_start3A_47 = tpu.memref_slice %dma_start3A_44[%dma_start3A_45, %dma_start3A_46] : memref<80x128xi32, #tpu.memory_space<hbm>> -> memref<40x128xi32, #tpu.memory_space<hbm>>
      tpu.enqueue_dma source(%dma_start3A_47 : memref<40x128xi32, #tpu.memory_space<hbm>>) target(%arg8 : memref<40x128xi32, #tpu.memory_space<vmem>>) target_semaphore(%run_scoped3A : memref<!tpu.dma_semaphore, #tpu.memory_space<semaphore_mem>>)
      %dma_wait3A = arith.constant 0 : i32
      %dma_wait3A_48 = arith.constant 0 : i32
      %dma_wait3A_49 = arith.constant 0 : i32
      %dma_wait3A_50 = tpu.memref_slice %arg4[%arg0, %dma_wait3A, %dma_wait3A_48, %dma_wait3A_49] : memref<2x16x80x128xi32, #tpu.memory_space<hbm>> -> memref<1x16x80x128xi32, #tpu.memory_space<hbm>>
      %dma_wait3A_51 = tpu.memref_squeeze %dma_wait3A_50 : memref<1x16x80x128xi32, #tpu.memory_space<hbm>> -> memref<16x80x128xi32, #tpu.memory_space<hbm>>
      %dma_wait3A_52 = arith.constant 0 : i32
      %dma_wait3A_53 = arith.constant 0 : i32
      %dma_wait3A_54 = tpu.memref_slice %dma_wait3A_51[%arg1, %dma_wait3A_52, %dma_wait3A_53] : memref<16x80x128xi32, #tpu.memory_space<hbm>> -> memref<1x80x128xi32, #tpu.memory_space<hbm>>
      %dma_wait3A_55 = tpu.memref_squeeze %dma_wait3A_54 : memref<1x80x128xi32, #tpu.memory_space<hbm>> -> memref<80x128xi32, #tpu.memory_space<hbm>>
      %dma_wait3A_56 = arith.constant 0 : i32
      %dma_wait3A_57 = arith.constant 0 : i32
      %dma_wait3A_58 = tpu.memref_slice %dma_wait3A_55[%dma_wait3A_56, %dma_wait3A_57] : memref<80x128xi32, #tpu.memory_space<hbm>> -> memref<40x128xi32, #tpu.memory_space<hbm>>
      %dma_wait3A_59 = arith.constant 0 : i32
      %dma_wait3A_60 = arith.constant 0 : i32
      %dma_wait3A_61 = arith.constant 0 : i32
      %dma_wait3A_62 = tpu.memref_slice %arg4[%arg0, %dma_wait3A_59, %dma_wait3A_60, %dma_wait3A_61] : memref<2x16x80x128xi32, #tpu.memory_space<hbm>> -> memref<1x16x80x128xi32, #tpu.memory_space<hbm>>
      %dma_wait3A_63 = tpu.memref_squeeze %dma_wait3A_62 : memref<1x16x80x128xi32, #tpu.memory_space<hbm>> -> memref<16x80x128xi32, #tpu.memory_space<hbm>>
      %dma_wait3A_64 = arith.constant 0 : i32
      %dma_wait3A_65 = arith.constant 0 : i32
      %dma_wait3A_66 = tpu.memref_slice %dma_wait3A_63[%arg1, %dma_wait3A_64, %dma_wait3A_65] : memref<16x80x128xi32, #tpu.memory_space<hbm>> -> memref<1x80x128xi32, #tpu.memory_space<hbm>>
      %dma_wait3A_67 = tpu.memref_squeeze %dma_wait3A_66 : memref<1x80x128xi32, #tpu.memory_space<hbm>> -> memref<80x128xi32, #tpu.memory_space<hbm>>
      %dma_wait3A_68 = arith.constant 0 : i32
      %dma_wait3A_69 = arith.constant 0 : i32
      %dma_wait3A_70 = tpu.memref_slice %dma_wait3A_67[%dma_wait3A_68, %dma_wait3A_69] : memref<80x128xi32, #tpu.memory_space<hbm>> -> memref<40x128xi32, #tpu.memory_space<hbm>>
      tpu.wait_dma2 semaphore(%run_scoped3A : memref<!tpu.dma_semaphore, #tpu.memory_space<semaphore_mem>>) src(%dma_wait3A_70 : memref<40x128xi32, #tpu.memory_space<hbm>>) dst(%arg8 : memref<40x128xi32, #tpu.memory_space<vmem>>)
      tpu.yield
    }) : () -> ()
    %barrier3A = arith.constant 0 : index
    tpu.barrier barrier_id(%barrier3A)
    %dma_start3A = arith.constant 0 : i32
    %dma_start3A_1 = arith.constant 0 : i32
    %dma_start3A_2 = tpu.memref_slice %arg7[%dma_start3A, %dma_start3A_1] : memref<40x128xi32, #tpu.memory_space<vmem>> -> memref<1x128xi32, #tpu.memory_space<vmem>>
    %dma_start3A_3 = tpu.memref_squeeze %dma_start3A_2 : memref<1x128xi32, #tpu.memory_space<vmem>> -> memref<128xi32, #tpu.memory_space<vmem>>
    %dma_start3A_4 = arith.constant 0 : i32
    %dma_start3A_5 = arith.constant 0 : i32
    %dma_start3A_6 = tpu.memref_slice %arg2[%dma_start3A_4, %dma_start3A_5] : memref<10000x128xf32, #tpu.memory_space<hbm>> -> memref<10000x128xf32, #tpu.memory_space<hbm>>
    tpu.enqueue_indirect_dma source(%dma_start3A_6 : memref<10000x128xf32, #tpu.memory_space<hbm>>) target(%arg9 : memref<128x128xf32, #tpu.memory_space<vmem>>) offsets(%dma_start3A_3 : memref<128xi32, #tpu.memory_space<vmem>>) semaphore(%arg12 : memref<!tpu.dma_semaphore, #tpu.memory_space<semaphore_mem>>)
    %scan3A = arith.constant 0 : i32
    %scan3A_7 = arith.constant 20 : i32
    %scan3A_8 = arith.addi %scan3A, %scan3A_7 : i32
    %scan3A_9 = arith.constant 1 : i32
    scf.for %scan3A_24 = %scan3A to %scan3A_8 step %scan3A_9  : i32 {
      %mul3A_25 = arith.constant 2 : i32
      %mul3A_26 = arith.muli %scan3A_24, %mul3A_25 : i32
      %add3A = arith.constant 0 : i32
      %add3A_27 = arith.addi %add3A, %mul3A_26 : i32
      %add3A_28 = arith.constant 1 : i32
      %add3A_29 = arith.addi %add3A_27, %add3A_28 : i32
      %dma_start3A_30 = arith.constant 0 : i32
      %dma_start3A_31 = tpu.memref_slice %arg7[%add3A_29, %dma_start3A_30] : memref<40x128xi32, #tpu.memory_space<vmem>> -> memref<1x128xi32, #tpu.memory_space<vmem>>
      %dma_start3A_32 = tpu.memref_squeeze %dma_start3A_31 : memref<1x128xi32, #tpu.memory_space<vmem>> -> memref<128xi32, #tpu.memory_space<vmem>>
      %dma_start3A_33 = arith.constant 0 : i32
      %dma_start3A_34 = arith.constant 0 : i32
      %dma_start3A_35 = tpu.memref_slice %arg2[%dma_start3A_33, %dma_start3A_34] : memref<10000x128xf32, #tpu.memory_space<hbm>> -> memref<10000x128xf32, #tpu.memory_space<hbm>>
      tpu.enqueue_indirect_dma source(%dma_start3A_35 : memref<10000x128xf32, #tpu.memory_space<hbm>>) target(%arg10 : memref<128x128xf32, #tpu.memory_space<vmem>>) offsets(%dma_start3A_32 : memref<128xi32, #tpu.memory_space<vmem>>) semaphore(%arg13 : memref<!tpu.dma_semaphore, #tpu.memory_space<semaphore_mem>>)
      %dma_wait3A = arith.constant 0 : i32
      %dma_wait3A_36 = tpu.memref_slice %arg7[%add3A_27, %dma_wait3A] : memref<40x128xi32, #tpu.memory_space<vmem>> -> memref<1x128xi32, #tpu.memory_space<vmem>>
      %dma_wait3A_37 = tpu.memref_squeeze %dma_wait3A_36 : memref<1x128xi32, #tpu.memory_space<vmem>> -> memref<128xi32, #tpu.memory_space<vmem>>
      %dma_wait3A_38 = arith.constant 0 : i32
      %dma_wait3A_39 = arith.constant 0 : i32
      %dma_wait3A_40 = tpu.memref_slice %arg2[%dma_wait3A_38, %dma_wait3A_39] : memref<10000x128xf32, #tpu.memory_space<hbm>> -> memref<10000x128xf32, #tpu.memory_space<hbm>>
      tpu.wait_indirect_dma semaphore(%arg12 : memref<!tpu.dma_semaphore, #tpu.memory_space<semaphore_mem>>) src(%dma_wait3A_40 : memref<10000x128xf32, #tpu.memory_space<hbm>>) dst(%arg9 : memref<128x128xf32, #tpu.memory_space<vmem>>)
      "tpu.region"() ({
        %run_scoped3A = tpu.sem_alloc : memref<!tpu.dma_semaphore, #tpu.memory_space<semaphore_mem>>
        %dma_start3A_55 = arith.constant 0 : i32
        %dma_start3A_56 = tpu.memref_slice %arg8[%add3A_27, %dma_start3A_55] : memref<40x128xi32, #tpu.memory_space<vmem>> -> memref<1x128xi32, #tpu.memory_space<vmem>>
        %dma_start3A_57 = tpu.memref_squeeze %dma_start3A_56 : memref<1x128xi32, #tpu.memory_space<vmem>> -> memref<128xi32, #tpu.memory_space<vmem>>
        %dma_start3A_58 = arith.constant 0 : i32
        %dma_start3A_59 = arith.constant 0 : i32
        %dma_start3A_60 = tpu.memref_slice %arg11[%dma_start3A_58, %dma_start3A_59] : memref<10112x128xf32, #tpu.memory_space<vmem_shared>> -> memref<10112x128xf32, #tpu.memory_space<vmem_shared>>
        tpu.enqueue_indirect_dma source(%arg9 : memref<128x128xf32, #tpu.memory_space<vmem>>) target(%dma_start3A_60 : memref<10112x128xf32, #tpu.memory_space<vmem_shared>>) offsets(%dma_start3A_57 : memref<128xi32, #tpu.memory_space<vmem>>) semaphore(%run_scoped3A : memref<!tpu.dma_semaphore, #tpu.memory_space<semaphore_mem>>) {add = true}
        %dma_wait3A_61 = arith.constant 0 : i32
        %dma_wait3A_62 = tpu.memref_slice %arg8[%add3A_27, %dma_wait3A_61] : memref<40x128xi32, #tpu.memory_space<vmem>> -> memref<1x128xi32, #tpu.memory_space<vmem>>
        %dma_wait3A_63 = tpu.memref_squeeze %dma_wait3A_62 : memref<1x128xi32, #tpu.memory_space<vmem>> -> memref<128xi32, #tpu.memory_space<vmem>>
        %dma_wait3A_64 = arith.constant 0 : i32
        %dma_wait3A_65 = arith.constant 0 : i32
        %dma_wait3A_66 = tpu.memref_slice %arg11[%dma_wait3A_64, %dma_wait3A_65] : memref<10112x128xf32, #tpu.memory_space<vmem_shared>> -> memref<10112x128xf32, #tpu.memory_space<vmem_shared>>
        tpu.wait_indirect_dma semaphore(%run_scoped3A : memref<!tpu.dma_semaphore, #tpu.memory_space<semaphore_mem>>) src(%arg9 : memref<128x128xf32, #tpu.memory_space<vmem>>) dst(%dma_wait3A_66 : memref<10112x128xf32, #tpu.memory_space<vmem_shared>>)
        tpu.yield
      }) : () -> ()
      %add3A_41 = arith.constant 2 : i32
      %add3A_42 = arith.addi %add3A_27, %add3A_41 : i32
      %lt3A = arith.constant 40 : i32
      %lt3A_43 = arith.cmpi slt, %add3A_42, %lt3A : i32
      %convert_element_type3A = arith.extui %lt3A_43 : i1 to i32
      %cond3A = arith.constant 0 : i32
      %cond3A_44 = arith.cmpi ne, %convert_element_type3A, %cond3A : i32
      scf.if %cond3A_44 {
        %add3A_55 = arith.constant 2 : i32
        %add3A_56 = arith.addi %add3A_27, %add3A_55 : i32
        %dma_start3A_57 = arith.constant 0 : i32
        %dma_start3A_58 = tpu.memref_slice %arg7[%add3A_56, %dma_start3A_57] : memref<40x128xi32, #tpu.memory_space<vmem>> -> memref<1x128xi32, #tpu.memory_space<vmem>>
        %dma_start3A_59 = tpu.memref_squeeze %dma_start3A_58 : memref<1x128xi32, #tpu.memory_space<vmem>> -> memref<128xi32, #tpu.memory_space<vmem>>
        %dma_start3A_60 = arith.constant 0 : i32
        %dma_start3A_61 = arith.constant 0 : i32
        %dma_start3A_62 = tpu.memref_slice %arg2[%dma_start3A_60, %dma_start3A_61] : memref<10000x128xf32, #tpu.memory_space<hbm>> -> memref<10000x128xf32, #tpu.memory_space<hbm>>
        tpu.enqueue_indirect_dma source(%dma_start3A_62 : memref<10000x128xf32, #tpu.memory_space<hbm>>) target(%arg9 : memref<128x128xf32, #tpu.memory_space<vmem>>) offsets(%dma_start3A_59 : memref<128xi32, #tpu.memory_space<vmem>>) semaphore(%arg12 : memref<!tpu.dma_semaphore, #tpu.memory_space<semaphore_mem>>)
      } else {
      }
      %add3A_45 = arith.constant 1 : i32
      %add3A_46 = arith.addi %add3A_27, %add3A_45 : i32
      %dma_wait3A_47 = arith.constant 0 : i32
      %dma_wait3A_48 = tpu.memref_slice %arg7[%add3A_46, %dma_wait3A_47] : memref<40x128xi32, #tpu.memory_space<vmem>> -> memref<1x128xi32, #tpu.memory_space<vmem>>
      %dma_wait3A_49 = tpu.memref_squeeze %dma_wait3A_48 : memref<1x128xi32, #tpu.memory_space<vmem>> -> memref<128xi32, #tpu.memory_space<vmem>>
      %dma_wait3A_50 = arith.constant 0 : i32
      %dma_wait3A_51 = arith.constant 0 : i32
      %dma_wait3A_52 = tpu.memref_slice %arg2[%dma_wait3A_50, %dma_wait3A_51] : memref<10000x128xf32, #tpu.memory_space<hbm>> -> memref<10000x128xf32, #tpu.memory_space<hbm>>
      tpu.wait_indirect_dma semaphore(%arg13 : memref<!tpu.dma_semaphore, #tpu.memory_space<semaphore_mem>>) src(%dma_wait3A_52 : memref<10000x128xf32, #tpu.memory_space<hbm>>) dst(%arg10 : memref<128x128xf32, #tpu.memory_space<vmem>>)
      %add3A_53 = arith.constant 1 : i32
      %add3A_54 = arith.addi %add3A_27, %add3A_53 : i32
      "tpu.region"() ({
        %run_scoped3A = tpu.sem_alloc : memref<!tpu.dma_semaphore, #tpu.memory_space<semaphore_mem>>
        %dma_start3A_55 = arith.constant 0 : i32
        %dma_start3A_56 = tpu.memref_slice %arg8[%add3A_54, %dma_start3A_55] : memref<40x128xi32, #tpu.memory_space<vmem>> -> memref<1x128xi32, #tpu.memory_space<vmem>>
        %dma_start3A_57 = tpu.memref_squeeze %dma_start3A_56 : memref<1x128xi32, #tpu.memory_space<vmem>> -> memref<128xi32, #tpu.memory_space<vmem>>
        %dma_start3A_58 = arith.constant 0 : i32
        %dma_start3A_59 = arith.constant 0 : i32
        %dma_start3A_60 = tpu.memref_slice %arg11[%dma_start3A_58, %dma_start3A_59] : memref<10112x128xf32, #tpu.memory_space<vmem_shared>> -> memref<10112x128xf32, #tpu.memory_space<vmem_shared>>
        tpu.enqueue_indirect_dma source(%arg10 : memref<128x128xf32, #tpu.memory_space<vmem>>) target(%dma_start3A_60 : memref<10112x128xf32, #tpu.memory_space<vmem_shared>>) offsets(%dma_start3A_57 : memref<128xi32, #tpu.memory_space<vmem>>) semaphore(%run_scoped3A : memref<!tpu.dma_semaphore, #tpu.memory_space<semaphore_mem>>) {add = true}
        %dma_wait3A_61 = arith.constant 0 : i32
        %dma_wait3A_62 = tpu.memref_slice %arg8[%add3A_54, %dma_wait3A_61] : memref<40x128xi32, #tpu.memory_space<vmem>> -> memref<1x128xi32, #tpu.memory_space<vmem>>
        %dma_wait3A_63 = tpu.memref_squeeze %dma_wait3A_62 : memref<1x128xi32, #tpu.memory_space<vmem>> -> memref<128xi32, #tpu.memory_space<vmem>>
        %dma_wait3A_64 = arith.constant 0 : i32
        %dma_wait3A_65 = arith.constant 0 : i32
        %dma_wait3A_66 = tpu.memref_slice %arg11[%dma_wait3A_64, %dma_wait3A_65] : memref<10112x128xf32, #tpu.memory_space<vmem_shared>> -> memref<10112x128xf32, #tpu.memory_space<vmem_shared>>
        tpu.wait_indirect_dma semaphore(%run_scoped3A : memref<!tpu.dma_semaphore, #tpu.memory_space<semaphore_mem>>) src(%arg10 : memref<128x128xf32, #tpu.memory_space<vmem>>) dst(%dma_wait3A_66 : memref<10112x128xf32, #tpu.memory_space<vmem_shared>>)
        tpu.yield
      }) : () -> ()
    }
    %scan3A_10 = arith.constant 20 : i32
    "tpu.region"() ({
      %run_scoped3A = tpu.sem_alloc : memref<!tpu.dma_semaphore, #tpu.memory_space<semaphore_mem>>
      %dma_start3A_24 = arith.constant 0 : i32
      %dma_start3A_25 = arith.constant 0 : i32
      %dma_start3A_26 = arith.constant 0 : i32
      %dma_start3A_27 = tpu.memref_slice %arg3[%arg0, %dma_start3A_24, %dma_start3A_25, %dma_start3A_26] : memref<2x16x80x128xi32, #tpu.memory_space<hbm>> -> memref<1x16x80x128xi32, #tpu.memory_space<hbm>>
      %dma_start3A_28 = tpu.memref_squeeze %dma_start3A_27 : memref<1x16x80x128xi32, #tpu.memory_space<hbm>> -> memref<16x80x128xi32, #tpu.memory_space<hbm>>
      %dma_start3A_29 = arith.constant 0 : i32
      %dma_start3A_30 = arith.constant 0 : i32
      %dma_start3A_31 = tpu.memref_slice %dma_start3A_28[%arg1, %dma_start3A_29, %dma_start3A_30] : memref<16x80x128xi32, #tpu.memory_space<hbm>> -> memref<1x80x128xi32, #tpu.memory_space<hbm>>
      %dma_start3A_32 = tpu.memref_squeeze %dma_start3A_31 : memref<1x80x128xi32, #tpu.memory_space<hbm>> -> memref<80x128xi32, #tpu.memory_space<hbm>>
      %dma_start3A_33 = arith.constant 40 : i32
      %dma_start3A_34 = arith.constant 0 : i32
      %dma_start3A_35 = tpu.memref_slice %dma_start3A_32[%dma_start3A_33, %dma_start3A_34] : memref<80x128xi32, #tpu.memory_space<hbm>> -> memref<40x128xi32, #tpu.memory_space<hbm>>
      %dma_start3A_36 = arith.constant 0 : i32
      %dma_start3A_37 = arith.constant 0 : i32
      %dma_start3A_38 = arith.constant 0 : i32
      %dma_start3A_39 = tpu.memref_slice %arg3[%arg0, %dma_start3A_36, %dma_start3A_37, %dma_start3A_38] : memref<2x16x80x128xi32, #tpu.memory_space<hbm>> -> memref<1x16x80x128xi32, #tpu.memory_space<hbm>>
      %dma_start3A_40 = tpu.memref_squeeze %dma_start3A_39 : memref<1x16x80x128xi32, #tpu.memory_space<hbm>> -> memref<16x80x128xi32, #tpu.memory_space<hbm>>
      %dma_start3A_41 = arith.constant 0 : i32
      %dma_start3A_42 = arith.constant 0 : i32
      %dma_start3A_43 = tpu.memref_slice %dma_start3A_40[%arg1, %dma_start3A_41, %dma_start3A_42] : memref<16x80x128xi32, #tpu.memory_space<hbm>> -> memref<1x80x128xi32, #tpu.memory_space<hbm>>
      %dma_start3A_44 = tpu.memref_squeeze %dma_start3A_43 : memref<1x80x128xi32, #tpu.memory_space<hbm>> -> memref<80x128xi32, #tpu.memory_space<hbm>>
      %dma_start3A_45 = arith.constant 40 : i32
      %dma_start3A_46 = arith.constant 0 : i32
      %dma_start3A_47 = tpu.memref_slice %dma_start3A_44[%dma_start3A_45, %dma_start3A_46] : memref<80x128xi32, #tpu.memory_space<hbm>> -> memref<40x128xi32, #tpu.memory_space<hbm>>
      tpu.enqueue_dma source(%dma_start3A_47 : memref<40x128xi32, #tpu.memory_space<hbm>>) target(%arg7 : memref<40x128xi32, #tpu.memory_space<vmem>>) target_semaphore(%run_scoped3A : memref<!tpu.dma_semaphore, #tpu.memory_space<semaphore_mem>>)
      %dma_wait3A = arith.constant 0 : i32
      %dma_wait3A_48 = arith.constant 0 : i32
      %dma_wait3A_49 = arith.constant 0 : i32
      %dma_wait3A_50 = tpu.memref_slice %arg3[%arg0, %dma_wait3A, %dma_wait3A_48, %dma_wait3A_49] : memref<2x16x80x128xi32, #tpu.memory_space<hbm>> -> memref<1x16x80x128xi32, #tpu.memory_space<hbm>>
      %dma_wait3A_51 = tpu.memref_squeeze %dma_wait3A_50 : memref<1x16x80x128xi32, #tpu.memory_space<hbm>> -> memref<16x80x128xi32, #tpu.memory_space<hbm>>
      %dma_wait3A_52 = arith.constant 0 : i32
      %dma_wait3A_53 = arith.constant 0 : i32
      %dma_wait3A_54 = tpu.memref_slice %dma_wait3A_51[%arg1, %dma_wait3A_52, %dma_wait3A_53] : memref<16x80x128xi32, #tpu.memory_space<hbm>> -> memref<1x80x128xi32, #tpu.memory_space<hbm>>
      %dma_wait3A_55 = tpu.memref_squeeze %dma_wait3A_54 : memref<1x80x128xi32, #tpu.memory_space<hbm>> -> memref<80x128xi32, #tpu.memory_space<hbm>>
      %dma_wait3A_56 = arith.constant 40 : i32
      %dma_wait3A_57 = arith.constant 0 : i32
      %dma_wait3A_58 = tpu.memref_slice %dma_wait3A_55[%dma_wait3A_56, %dma_wait3A_57] : memref<80x128xi32, #tpu.memory_space<hbm>> -> memref<40x128xi32, #tpu.memory_space<hbm>>
      %dma_wait3A_59 = arith.constant 0 : i32
      %dma_wait3A_60 = arith.constant 0 : i32
      %dma_wait3A_61 = arith.constant 0 : i32
      %dma_wait3A_62 = tpu.memref_slice %arg3[%arg0, %dma_wait3A_59, %dma_wait3A_60, %dma_wait3A_61] : memref<2x16x80x128xi32, #tpu.memory_space<hbm>> -> memref<1x16x80x128xi32, #tpu.memory_space<hbm>>
      %dma_wait3A_63 = tpu.memref_squeeze %dma_wait3A_62 : memref<1x16x80x128xi32, #tpu.memory_space<hbm>> -> memref<16x80x128xi32, #tpu.memory_space<hbm>>
      %dma_wait3A_64 = arith.constant 0 : i32
      %dma_wait3A_65 = arith.constant 0 : i32
      %dma_wait3A_66 = tpu.memref_slice %dma_wait3A_63[%arg1, %dma_wait3A_64, %dma_wait3A_65] : memref<16x80x128xi32, #tpu.memory_space<hbm>> -> memref<1x80x128xi32, #tpu.memory_space<hbm>>
      %dma_wait3A_67 = tpu.memref_squeeze %dma_wait3A_66 : memref<1x80x128xi32, #tpu.memory_space<hbm>> -> memref<80x128xi32, #tpu.memory_space<hbm>>
      %dma_wait3A_68 = arith.constant 40 : i32
      %dma_wait3A_69 = arith.constant 0 : i32
      %dma_wait3A_70 = tpu.memref_slice %dma_wait3A_67[%dma_wait3A_68, %dma_wait3A_69] : memref<80x128xi32, #tpu.memory_space<hbm>> -> memref<40x128xi32, #tpu.memory_space<hbm>>
      tpu.wait_dma2 semaphore(%run_scoped3A : memref<!tpu.dma_semaphore, #tpu.memory_space<semaphore_mem>>) src(%dma_wait3A_70 : memref<40x128xi32, #tpu.memory_space<hbm>>) dst(%arg7 : memref<40x128xi32, #tpu.memory_space<vmem>>)
      tpu.yield
    }) : () -> ()
    "tpu.region"() ({
      %run_scoped3A = tpu.sem_alloc : memref<!tpu.dma_semaphore, #tpu.memory_space<semaphore_mem>>
      %dma_start3A_24 = arith.constant 0 : i32
      %dma_start3A_25 = arith.constant 0 : i32
      %dma_start3A_26 = arith.constant 0 : i32
      %dma_start3A_27 = tpu.memref_slice %arg4[%arg0, %dma_start3A_24, %dma_start3A_25, %dma_start3A_26] : memref<2x16x80x128xi32, #tpu.memory_space<hbm>> -> memref<1x16x80x128xi32, #tpu.memory_space<hbm>>
      %dma_start3A_28 = tpu.memref_squeeze %dma_start3A_27 : memref<1x16x80x128xi32, #tpu.memory_space<hbm>> -> memref<16x80x128xi32, #tpu.memory_space<hbm>>
      %dma_start3A_29 = arith.constant 0 : i32
      %dma_start3A_30 = arith.constant 0 : i32
      %dma_start3A_31 = tpu.memref_slice %dma_start3A_28[%arg1, %dma_start3A_29, %dma_start3A_30] : memref<16x80x128xi32, #tpu.memory_space<hbm>> -> memref<1x80x128xi32, #tpu.memory_space<hbm>>
      %dma_start3A_32 = tpu.memref_squeeze %dma_start3A_31 : memref<1x80x128xi32, #tpu.memory_space<hbm>> -> memref<80x128xi32, #tpu.memory_space<hbm>>
      %dma_start3A_33 = arith.constant 40 : i32
      %dma_start3A_34 = arith.constant 0 : i32
      %dma_start3A_35 = tpu.memref_slice %dma_start3A_32[%dma_start3A_33, %dma_start3A_34] : memref<80x128xi32, #tpu.memory_space<hbm>> -> memref<40x128xi32, #tpu.memory_space<hbm>>
      %dma_start3A_36 = arith.constant 0 : i32
      %dma_start3A_37 = arith.constant 0 : i32
      %dma_start3A_38 = arith.constant 0 : i32
      %dma_start3A_39 = tpu.memref_slice %arg4[%arg0, %dma_start3A_36, %dma_start3A_37, %dma_start3A_38] : memref<2x16x80x128xi32, #tpu.memory_space<hbm>> -> memref<1x16x80x128xi32, #tpu.memory_space<hbm>>
      %dma_start3A_40 = tpu.memref_squeeze %dma_start3A_39 : memref<1x16x80x128xi32, #tpu.memory_space<hbm>> -> memref<16x80x128xi32, #tpu.memory_space<hbm>>
      %dma_start3A_41 = arith.constant 0 : i32
      %dma_start3A_42 = arith.constant 0 : i32
      %dma_start3A_43 = tpu.memref_slice %dma_start3A_40[%arg1, %dma_start3A_41, %dma_start3A_42] : memref<16x80x128xi32, #tpu.memory_space<hbm>> -> memref<1x80x128xi32, #tpu.memory_space<hbm>>
      %dma_start3A_44 = tpu.memref_squeeze %dma_start3A_43 : memref<1x80x128xi32, #tpu.memory_space<hbm>> -> memref<80x128xi32, #tpu.memory_space<hbm>>
      %dma_start3A_45 = arith.constant 40 : i32
      %dma_start3A_46 = arith.constant 0 : i32
      %dma_start3A_47 = tpu.memref_slice %dma_start3A_44[%dma_start3A_45, %dma_start3A_46] : memref<80x128xi32, #tpu.memory_space<hbm>> -> memref<40x128xi32, #tpu.memory_space<hbm>>
      tpu.enqueue_dma source(%dma_start3A_47 : memref<40x128xi32, #tpu.memory_space<hbm>>) target(%arg8 : memref<40x128xi32, #tpu.memory_space<vmem>>) target_semaphore(%run_scoped3A : memref<!tpu.dma_semaphore, #tpu.memory_space<semaphore_mem>>)
      %dma_wait3A = arith.constant 0 : i32
      %dma_wait3A_48 = arith.constant 0 : i32
      %dma_wait3A_49 = arith.constant 0 : i32
      %dma_wait3A_50 = tpu.memref_slice %arg4[%arg0, %dma_wait3A, %dma_wait3A_48, %dma_wait3A_49] : memref<2x16x80x128xi32, #tpu.memory_space<hbm>> -> memref<1x16x80x128xi32, #tpu.memory_space<hbm>>
      %dma_wait3A_51 = tpu.memref_squeeze %dma_wait3A_50 : memref<1x16x80x128xi32, #tpu.memory_space<hbm>> -> memref<16x80x128xi32, #tpu.memory_space<hbm>>
      %dma_wait3A_52 = arith.constant 0 : i32
      %dma_wait3A_53 = arith.constant 0 : i32
      %dma_wait3A_54 = tpu.memref_slice %dma_wait3A_51[%arg1, %dma_wait3A_52, %dma_wait3A_53] : memref<16x80x128xi32, #tpu.memory_space<hbm>> -> memref<1x80x128xi32, #tpu.memory_space<hbm>>
      %dma_wait3A_55 = tpu.memref_squeeze %dma_wait3A_54 : memref<1x80x128xi32, #tpu.memory_space<hbm>> -> memref<80x128xi32, #tpu.memory_space<hbm>>
      %dma_wait3A_56 = arith.constant 40 : i32
      %dma_wait3A_57 = arith.constant 0 : i32
      %dma_wait3A_58 = tpu.memref_slice %dma_wait3A_55[%dma_wait3A_56, %dma_wait3A_57] : memref<80x128xi32, #tpu.memory_space<hbm>> -> memref<40x128xi32, #tpu.memory_space<hbm>>
      %dma_wait3A_59 = arith.constant 0 : i32
      %dma_wait3A_60 = arith.constant 0 : i32
      %dma_wait3A_61 = arith.constant 0 : i32
      %dma_wait3A_62 = tpu.memref_slice %arg4[%arg0, %dma_wait3A_59, %dma_wait3A_60, %dma_wait3A_61] : memref<2x16x80x128xi32, #tpu.memory_space<hbm>> -> memref<1x16x80x128xi32, #tpu.memory_space<hbm>>
      %dma_wait3A_63 = tpu.memref_squeeze %dma_wait3A_62 : memref<1x16x80x128xi32, #tpu.memory_space<hbm>> -> memref<16x80x128xi32, #tpu.memory_space<hbm>>
      %dma_wait3A_64 = arith.constant 0 : i32
      %dma_wait3A_65 = arith.constant 0 : i32
      %dma_wait3A_66 = tpu.memref_slice %dma_wait3A_63[%arg1, %dma_wait3A_64, %dma_wait3A_65] : memref<16x80x128xi32, #tpu.memory_space<hbm>> -> memref<1x80x128xi32, #tpu.memory_space<hbm>>
      %dma_wait3A_67 = tpu.memref_squeeze %dma_wait3A_66 : memref<1x80x128xi32, #tpu.memory_space<hbm>> -> memref<80x128xi32, #tpu.memory_space<hbm>>
      %dma_wait3A_68 = arith.constant 40 : i32
      %dma_wait3A_69 = arith.constant 0 : i32
      %dma_wait3A_70 = tpu.memref_slice %dma_wait3A_67[%dma_wait3A_68, %dma_wait3A_69] : memref<80x128xi32, #tpu.memory_space<hbm>> -> memref<40x128xi32, #tpu.memory_space<hbm>>
      tpu.wait_dma2 semaphore(%run_scoped3A : memref<!tpu.dma_semaphore, #tpu.memory_space<semaphore_mem>>) src(%dma_wait3A_70 : memref<40x128xi32, #tpu.memory_space<hbm>>) dst(%arg8 : memref<40x128xi32, #tpu.memory_space<vmem>>)
      tpu.yield
    }) : () -> ()
    %dma_start3A_11 = arith.constant 0 : i32
    %dma_start3A_12 = arith.constant 0 : i32
    %dma_start3A_13 = tpu.memref_slice %arg7[%dma_start3A_11, %dma_start3A_12] : memref<40x128xi32, #tpu.memory_space<vmem>> -> memref<1x128xi32, #tpu.memory_space<vmem>>
    %dma_start3A_14 = tpu.memref_squeeze %dma_start3A_13 : memref<1x128xi32, #tpu.memory_space<vmem>> -> memref<128xi32, #tpu.memory_space<vmem>>
    %dma_start3A_15 = arith.constant 0 : i32
    %dma_start3A_16 = arith.constant 0 : i32
    %dma_start3A_17 = tpu.memref_slice %arg2[%dma_start3A_15, %dma_start3A_16] : memref<10000x128xf32, #tpu.memory_space<hbm>> -> memref<10000x128xf32, #tpu.memory_space<hbm>>
    tpu.enqueue_indirect_dma source(%dma_start3A_17 : memref<10000x128xf32, #tpu.memory_space<hbm>>) target(%arg9 : memref<128x128xf32, #tpu.memory_space<vmem>>) offsets(%dma_start3A_14 : memref<128xi32, #tpu.memory_space<vmem>>) semaphore(%arg12 : memref<!tpu.dma_semaphore, #tpu.memory_space<semaphore_mem>>)
    %scan3A_18 = arith.constant 0 : i32
    %scan3A_19 = arith.constant 20 : i32
    %scan3A_20 = arith.addi %scan3A_18, %scan3A_19 : i32
    %scan3A_21 = arith.constant 1 : i32
    scf.for %scan3A_24 = %scan3A_18 to %scan3A_20 step %scan3A_21  : i32 {
      %mul3A_25 = arith.constant 2 : i32
      %mul3A_26 = arith.muli %scan3A_24, %mul3A_25 : i32
      %add3A = arith.constant 0 : i32
      %add3A_27 = arith.addi %add3A, %mul3A_26 : i32
      %add3A_28 = arith.constant 1 : i32
      %add3A_29 = arith.addi %add3A_27, %add3A_28 : i32
      %dma_start3A_30 = arith.constant 0 : i32
      %dma_start3A_31 = tpu.memref_slice %arg7[%add3A_29, %dma_start3A_30] : memref<40x128xi32, #tpu.memory_space<vmem>> -> memref<1x128xi32, #tpu.memory_space<vmem>>
      %dma_start3A_32 = tpu.memref_squeeze %dma_start3A_31 : memref<1x128xi32, #tpu.memory_space<vmem>> -> memref<128xi32, #tpu.memory_space<vmem>>
      %dma_start3A_33 = arith.constant 0 : i32
      %dma_start3A_34 = arith.constant 0 : i32
      %dma_start3A_35 = tpu.memref_slice %arg2[%dma_start3A_33, %dma_start3A_34] : memref<10000x128xf32, #tpu.memory_space<hbm>> -> memref<10000x128xf32, #tpu.memory_space<hbm>>
      tpu.enqueue_indirect_dma source(%dma_start3A_35 : memref<10000x128xf32, #tpu.memory_space<hbm>>) target(%arg10 : memref<128x128xf32, #tpu.memory_space<vmem>>) offsets(%dma_start3A_32 : memref<128xi32, #tpu.memory_space<vmem>>) semaphore(%arg13 : memref<!tpu.dma_semaphore, #tpu.memory_space<semaphore_mem>>)
      %dma_wait3A = arith.constant 0 : i32
      %dma_wait3A_36 = tpu.memref_slice %arg7[%add3A_27, %dma_wait3A] : memref<40x128xi32, #tpu.memory_space<vmem>> -> memref<1x128xi32, #tpu.memory_space<vmem>>
      %dma_wait3A_37 = tpu.memref_squeeze %dma_wait3A_36 : memref<1x128xi32, #tpu.memory_space<vmem>> -> memref<128xi32, #tpu.memory_space<vmem>>
      %dma_wait3A_38 = arith.constant 0 : i32
      %dma_wait3A_39 = arith.constant 0 : i32
      %dma_wait3A_40 = tpu.memref_slice %arg2[%dma_wait3A_38, %dma_wait3A_39] : memref<10000x128xf32, #tpu.memory_space<hbm>> -> memref<10000x128xf32, #tpu.memory_space<hbm>>
      tpu.wait_indirect_dma semaphore(%arg12 : memref<!tpu.dma_semaphore, #tpu.memory_space<semaphore_mem>>) src(%dma_wait3A_40 : memref<10000x128xf32, #tpu.memory_space<hbm>>) dst(%arg9 : memref<128x128xf32, #tpu.memory_space<vmem>>)
      "tpu.region"() ({
        %run_scoped3A = tpu.sem_alloc : memref<!tpu.dma_semaphore, #tpu.memory_space<semaphore_mem>>
        %dma_start3A_55 = arith.constant 0 : i32
        %dma_start3A_56 = tpu.memref_slice %arg8[%add3A_27, %dma_start3A_55] : memref<40x128xi32, #tpu.memory_space<vmem>> -> memref<1x128xi32, #tpu.memory_space<vmem>>
        %dma_start3A_57 = tpu.memref_squeeze %dma_start3A_56 : memref<1x128xi32, #tpu.memory_space<vmem>> -> memref<128xi32, #tpu.memory_space<vmem>>
        %dma_start3A_58 = arith.constant 0 : i32
        %dma_start3A_59 = arith.constant 0 : i32
        %dma_start3A_60 = tpu.memref_slice %arg11[%dma_start3A_58, %dma_start3A_59] : memref<10112x128xf32, #tpu.memory_space<vmem_shared>> -> memref<10112x128xf32, #tpu.memory_space<vmem_shared>>
        tpu.enqueue_indirect_dma source(%arg9 : memref<128x128xf32, #tpu.memory_space<vmem>>) target(%dma_start3A_60 : memref<10112x128xf32, #tpu.memory_space<vmem_shared>>) offsets(%dma_start3A_57 : memref<128xi32, #tpu.memory_space<vmem>>) semaphore(%run_scoped3A : memref<!tpu.dma_semaphore, #tpu.memory_space<semaphore_mem>>) {add = true}
        %dma_wait3A_61 = arith.constant 0 : i32
        %dma_wait3A_62 = tpu.memref_slice %arg8[%add3A_27, %dma_wait3A_61] : memref<40x128xi32, #tpu.memory_space<vmem>> -> memref<1x128xi32, #tpu.memory_space<vmem>>
        %dma_wait3A_63 = tpu.memref_squeeze %dma_wait3A_62 : memref<1x128xi32, #tpu.memory_space<vmem>> -> memref<128xi32, #tpu.memory_space<vmem>>
        %dma_wait3A_64 = arith.constant 0 : i32
        %dma_wait3A_65 = arith.constant 0 : i32
        %dma_wait3A_66 = tpu.memref_slice %arg11[%dma_wait3A_64, %dma_wait3A_65] : memref<10112x128xf32, #tpu.memory_space<vmem_shared>> -> memref<10112x128xf32, #tpu.memory_space<vmem_shared>>
        tpu.wait_indirect_dma semaphore(%run_scoped3A : memref<!tpu.dma_semaphore, #tpu.memory_space<semaphore_mem>>) src(%arg9 : memref<128x128xf32, #tpu.memory_space<vmem>>) dst(%dma_wait3A_66 : memref<10112x128xf32, #tpu.memory_space<vmem_shared>>)
        tpu.yield
      }) : () -> ()
      %add3A_41 = arith.constant 2 : i32
      %add3A_42 = arith.addi %add3A_27, %add3A_41 : i32
      %lt3A = arith.constant 40 : i32
      %lt3A_43 = arith.cmpi slt, %add3A_42, %lt3A : i32
      %convert_element_type3A = arith.extui %lt3A_43 : i1 to i32
      %cond3A = arith.constant 0 : i32
      %cond3A_44 = arith.cmpi ne, %convert_element_type3A, %cond3A : i32
      scf.if %cond3A_44 {
        %add3A_55 = arith.constant 2 : i32
        %add3A_56 = arith.addi %add3A_27, %add3A_55 : i32
        %dma_start3A_57 = arith.constant 0 : i32
        %dma_start3A_58 = tpu.memref_slice %arg7[%add3A_56, %dma_start3A_57] : memref<40x128xi32, #tpu.memory_space<vmem>> -> memref<1x128xi32, #tpu.memory_space<vmem>>
        %dma_start3A_59 = tpu.memref_squeeze %dma_start3A_58 : memref<1x128xi32, #tpu.memory_space<vmem>> -> memref<128xi32, #tpu.memory_space<vmem>>
        %dma_start3A_60 = arith.constant 0 : i32
        %dma_start3A_61 = arith.constant 0 : i32
        %dma_start3A_62 = tpu.memref_slice %arg2[%dma_start3A_60, %dma_start3A_61] : memref<10000x128xf32, #tpu.memory_space<hbm>> -> memref<10000x128xf32, #tpu.memory_space<hbm>>
        tpu.enqueue_indirect_dma source(%dma_start3A_62 : memref<10000x128xf32, #tpu.memory_space<hbm>>) target(%arg9 : memref<128x128xf32, #tpu.memory_space<vmem>>) offsets(%dma_start3A_59 : memref<128xi32, #tpu.memory_space<vmem>>) semaphore(%arg12 : memref<!tpu.dma_semaphore, #tpu.memory_space<semaphore_mem>>)
      } else {
      }
      %add3A_45 = arith.constant 1 : i32
      %add3A_46 = arith.addi %add3A_27, %add3A_45 : i32
      %dma_wait3A_47 = arith.constant 0 : i32
      %dma_wait3A_48 = tpu.memref_slice %arg7[%add3A_46, %dma_wait3A_47] : memref<40x128xi32, #tpu.memory_space<vmem>> -> memref<1x128xi32, #tpu.memory_space<vmem>>
      %dma_wait3A_49 = tpu.memref_squeeze %dma_wait3A_48 : memref<1x128xi32, #tpu.memory_space<vmem>> -> memref<128xi32, #tpu.memory_space<vmem>>
      %dma_wait3A_50 = arith.constant 0 : i32
      %dma_wait3A_51 = arith.constant 0 : i32
      %dma_wait3A_52 = tpu.memref_slice %arg2[%dma_wait3A_50, %dma_wait3A_51] : memref<10000x128xf32, #tpu.memory_space<hbm>> -> memref<10000x128xf32, #tpu.memory_space<hbm>>
      tpu.wait_indirect_dma semaphore(%arg13 : memref<!tpu.dma_semaphore, #tpu.memory_space<semaphore_mem>>) src(%dma_wait3A_52 : memref<10000x128xf32, #tpu.memory_space<hbm>>) dst(%arg10 : memref<128x128xf32, #tpu.memory_space<vmem>>)
      %add3A_53 = arith.constant 1 : i32
      %add3A_54 = arith.addi %add3A_27, %add3A_53 : i32
      "tpu.region"() ({
        %run_scoped3A = tpu.sem_alloc : memref<!tpu.dma_semaphore, #tpu.memory_space<semaphore_mem>>
        %dma_start3A_55 = arith.constant 0 : i32
        %dma_start3A_56 = tpu.memref_slice %arg8[%add3A_54, %dma_start3A_55] : memref<40x128xi32, #tpu.memory_space<vmem>> -> memref<1x128xi32, #tpu.memory_space<vmem>>
        %dma_start3A_57 = tpu.memref_squeeze %dma_start3A_56 : memref<1x128xi32, #tpu.memory_space<vmem>> -> memref<128xi32, #tpu.memory_space<vmem>>
        %dma_start3A_58 = arith.constant 0 : i32
        %dma_start3A_59 = arith.constant 0 : i32
        %dma_start3A_60 = tpu.memref_slice %arg11[%dma_start3A_58, %dma_start3A_59] : memref<10112x128xf32, #tpu.memory_space<vmem_shared>> -> memref<10112x128xf32, #tpu.memory_space<vmem_shared>>
        tpu.enqueue_indirect_dma source(%arg10 : memref<128x128xf32, #tpu.memory_space<vmem>>) target(%dma_start3A_60 : memref<10112x128xf32, #tpu.memory_space<vmem_shared>>) offsets(%dma_start3A_57 : memref<128xi32, #tpu.memory_space<vmem>>) semaphore(%run_scoped3A : memref<!tpu.dma_semaphore, #tpu.memory_space<semaphore_mem>>) {add = true}
        %dma_wait3A_61 = arith.constant 0 : i32
        %dma_wait3A_62 = tpu.memref_slice %arg8[%add3A_54, %dma_wait3A_61] : memref<40x128xi32, #tpu.memory_space<vmem>> -> memref<1x128xi32, #tpu.memory_space<vmem>>
        %dma_wait3A_63 = tpu.memref_squeeze %dma_wait3A_62 : memref<1x128xi32, #tpu.memory_space<vmem>> -> memref<128xi32, #tpu.memory_space<vmem>>
        %dma_wait3A_64 = arith.constant 0 : i32
        %dma_wait3A_65 = arith.constant 0 : i32
        %dma_wait3A_66 = tpu.memref_slice %arg11[%dma_wait3A_64, %dma_wait3A_65] : memref<10112x128xf32, #tpu.memory_space<vmem_shared>> -> memref<10112x128xf32, #tpu.memory_space<vmem_shared>>
        tpu.wait_indirect_dma semaphore(%run_scoped3A : memref<!tpu.dma_semaphore, #tpu.memory_space<semaphore_mem>>) src(%arg10 : memref<128x128xf32, #tpu.memory_space<vmem>>) dst(%dma_wait3A_66 : memref<10112x128xf32, #tpu.memory_space<vmem_shared>>)
        tpu.yield
      }) : () -> ()
    }
    %scan3A_22 = arith.constant 20 : i32
    %barrier3A_23 = arith.constant 0 : index
    tpu.barrier barrier_id(%barrier3A_23)
    "tpu.region"() ({
      %run_scoped3A = tpu.sem_alloc : memref<!tpu.dma_semaphore, #tpu.memory_space<semaphore_mem>>
      %dma_start3A_24 = arith.constant 0 : i32
      %dma_start3A_25 = arith.constant 0 : i32
      %dma_start3A_26 = tpu.memref_slice %arg6[%arg0, %dma_start3A_24, %dma_start3A_25] : memref<2x10112x128xf32, #tpu.memory_space<hbm>> -> memref<1x10112x128xf32, #tpu.memory_space<hbm>>
      %dma_start3A_27 = tpu.memref_squeeze %dma_start3A_26 : memref<1x10112x128xf32, #tpu.memory_space<hbm>> -> memref<10112x128xf32, #tpu.memory_space<hbm>>
      %dma_start3A_28 = arith.constant 0 : i32
      %dma_start3A_29 = tpu.memref_slice %dma_start3A_27[%mul3A_0, %dma_start3A_28] : memref<10112x128xf32, #tpu.memory_space<hbm>> -> memref<632x128xf32, #tpu.memory_space<hbm>>
      %dma_start3A_30 = arith.constant 0 : i32
      %dma_start3A_31 = tpu.memref_slice %arg11[%mul3A_0, %dma_start3A_30] : memref<10112x128xf32, #tpu.memory_space<vmem_shared>> -> memref<632x128xf32, #tpu.memory_space<vmem_shared>>
      tpu.enqueue_dma source(%dma_start3A_31 : memref<632x128xf32, #tpu.memory_space<vmem_shared>>) target(%dma_start3A_29 : memref<632x128xf32, #tpu.memory_space<hbm>>) target_semaphore(%run_scoped3A : memref<!tpu.dma_semaphore, #tpu.memory_space<semaphore_mem>>)
      %dma_wait3A = arith.constant 0 : i32
      %dma_wait3A_32 = arith.constant 0 : i32
      %dma_wait3A_33 = tpu.memref_slice %arg6[%arg0, %dma_wait3A, %dma_wait3A_32] : memref<2x10112x128xf32, #tpu.memory_space<hbm>> -> memref<1x10112x128xf32, #tpu.memory_space<hbm>>
      %dma_wait3A_34 = tpu.memref_squeeze %dma_wait3A_33 : memref<1x10112x128xf32, #tpu.memory_space<hbm>> -> memref<10112x128xf32, #tpu.memory_space<hbm>>
      %dma_wait3A_35 = arith.constant 0 : i32
      %dma_wait3A_36 = tpu.memref_slice %dma_wait3A_34[%mul3A_0, %dma_wait3A_35] : memref<10112x128xf32, #tpu.memory_space<hbm>> -> memref<632x128xf32, #tpu.memory_space<hbm>>
      %dma_wait3A_37 = arith.constant 0 : i32
      %dma_wait3A_38 = tpu.memref_slice %arg11[%mul3A_0, %dma_wait3A_37] : memref<10112x128xf32, #tpu.memory_space<vmem_shared>> -> memref<632x128xf32, #tpu.memory_space<vmem_shared>>
      tpu.wait_dma2 semaphore(%run_scoped3A : memref<!tpu.dma_semaphore, #tpu.memory_space<semaphore_mem>>) src(%dma_wait3A_38 : memref<632x128xf32, #tpu.memory_space<vmem_shared>>) dst(%dma_wait3A_36 : memref<632x128xf32, #tpu.memory_space<hbm>>)
      tpu.yield
    }) : () -> ()
    return
  }
}

#map = affine_map<(d0, d1) -> (0, 0, 0)>
#map1 = affine_map<(d0, d1) -> (0, 0)>
#map2 = affine_map<(d0, d1) -> (0, 0, 0, 0)>
module attributes {stable_mosaic.version = 14 : i64} {
  func.func @_count_kernel(%arg0: i32, %arg1: i32, %arg2: memref<2x16x10240xi32, #tpu.memory_space<hbm>>, %arg3: memref<2x16x10240xi32, #tpu.memory_space<hbm>>, %arg4: memref<2x10016xf32, #tpu.memory_space<hbm>>, %arg5: memref<2x16x2x10016xf32, #tpu.memory_space<hbm>>, %arg6: memref<10240xi32, #tpu.memory_space<vmem>>, %arg7: memref<10240xi32, #tpu.memory_space<vmem>>, %arg8: memref<2x10016xf32, #tpu.memory_space<vmem>>) attributes {dimension_semantics = [#tpu.dimension_semantics<core_parallel>, #tpu.dimension_semantics<subcore_parallel>], iteration_bounds = array<i64: 2, 16>, scalar_prefetch = 0 : i64, scratch_operands = 3 : i64, tpu.core_type = #tpu.core_type<sc_vector_subcore>, window_params = [{transform_indices = #map}, {transform_indices = #map}, {transform_indices = #map1}, {transform_indices = #map2}]} {
    "tpu.region"() ({
      %run_scoped3A = tpu.sem_alloc : memref<!tpu.dma_semaphore, #tpu.memory_space<semaphore_mem>>
      tpu.enqueue_dma source(%arg4 : memref<2x10016xf32, #tpu.memory_space<hbm>>) target(%arg8 : memref<2x10016xf32, #tpu.memory_space<vmem>>) target_semaphore(%run_scoped3A : memref<!tpu.dma_semaphore, #tpu.memory_space<semaphore_mem>>)
      tpu.wait_dma2 semaphore(%run_scoped3A : memref<!tpu.dma_semaphore, #tpu.memory_space<semaphore_mem>>) src(%arg4 : memref<2x10016xf32, #tpu.memory_space<hbm>>) dst(%arg8 : memref<2x10016xf32, #tpu.memory_space<vmem>>)
      tpu.yield
    }) : () -> ()
    "tpu.region"() ({
      %run_scoped3A = tpu.sem_alloc : memref<!tpu.dma_semaphore, #tpu.memory_space<semaphore_mem>>
      %dma_start3A = arith.constant 0 : i32
      %dma_start3A_9 = arith.constant 0 : i32
      %dma_start3A_10 = tpu.memref_slice %arg2[%arg0, %dma_start3A, %dma_start3A_9] : memref<2x16x10240xi32, #tpu.memory_space<hbm>> -> memref<1x16x10240xi32, #tpu.memory_space<hbm>>
      %dma_start3A_11 = tpu.memref_squeeze %dma_start3A_10 : memref<1x16x10240xi32, #tpu.memory_space<hbm>> -> memref<16x10240xi32, #tpu.memory_space<hbm>>
      %dma_start3A_12 = arith.constant 0 : i32
      %dma_start3A_13 = tpu.memref_slice %dma_start3A_11[%arg1, %dma_start3A_12] : memref<16x10240xi32, #tpu.memory_space<hbm>> -> memref<1x10240xi32, #tpu.memory_space<hbm>>
      %dma_start3A_14 = tpu.memref_squeeze %dma_start3A_13 : memref<1x10240xi32, #tpu.memory_space<hbm>> -> memref<10240xi32, #tpu.memory_space<hbm>>
      %dma_start3A_15 = arith.constant 0 : i32
      %dma_start3A_16 = arith.constant 0 : i32
      %dma_start3A_17 = tpu.memref_slice %arg2[%arg0, %dma_start3A_15, %dma_start3A_16] : memref<2x16x10240xi32, #tpu.memory_space<hbm>> -> memref<1x16x10240xi32, #tpu.memory_space<hbm>>
      %dma_start3A_18 = tpu.memref_squeeze %dma_start3A_17 : memref<1x16x10240xi32, #tpu.memory_space<hbm>> -> memref<16x10240xi32, #tpu.memory_space<hbm>>
      %dma_start3A_19 = arith.constant 0 : i32
      %dma_start3A_20 = tpu.memref_slice %dma_start3A_18[%arg1, %dma_start3A_19] : memref<16x10240xi32, #tpu.memory_space<hbm>> -> memref<1x10240xi32, #tpu.memory_space<hbm>>
      %dma_start3A_21 = tpu.memref_squeeze %dma_start3A_20 : memref<1x10240xi32, #tpu.memory_space<hbm>> -> memref<10240xi32, #tpu.memory_space<hbm>>
      tpu.enqueue_dma source(%dma_start3A_21 : memref<10240xi32, #tpu.memory_space<hbm>>) target(%arg6 : memref<10240xi32, #tpu.memory_space<vmem>>) target_semaphore(%run_scoped3A : memref<!tpu.dma_semaphore, #tpu.memory_space<semaphore_mem>>)
      %dma_wait3A = arith.constant 0 : i32
      %dma_wait3A_22 = arith.constant 0 : i32
      %dma_wait3A_23 = tpu.memref_slice %arg2[%arg0, %dma_wait3A, %dma_wait3A_22] : memref<2x16x10240xi32, #tpu.memory_space<hbm>> -> memref<1x16x10240xi32, #tpu.memory_space<hbm>>
      %dma_wait3A_24 = tpu.memref_squeeze %dma_wait3A_23 : memref<1x16x10240xi32, #tpu.memory_space<hbm>> -> memref<16x10240xi32, #tpu.memory_space<hbm>>
      %dma_wait3A_25 = arith.constant 0 : i32
      %dma_wait3A_26 = tpu.memref_slice %dma_wait3A_24[%arg1, %dma_wait3A_25] : memref<16x10240xi32, #tpu.memory_space<hbm>> -> memref<1x10240xi32, #tpu.memory_space<hbm>>
      %dma_wait3A_27 = tpu.memref_squeeze %dma_wait3A_26 : memref<1x10240xi32, #tpu.memory_space<hbm>> -> memref<10240xi32, #tpu.memory_space<hbm>>
      %dma_wait3A_28 = arith.constant 0 : i32
      %dma_wait3A_29 = arith.constant 0 : i32
      %dma_wait3A_30 = tpu.memref_slice %arg2[%arg0, %dma_wait3A_28, %dma_wait3A_29] : memref<2x16x10240xi32, #tpu.memory_space<hbm>> -> memref<1x16x10240xi32, #tpu.memory_space<hbm>>
      %dma_wait3A_31 = tpu.memref_squeeze %dma_wait3A_30 : memref<1x16x10240xi32, #tpu.memory_space<hbm>> -> memref<16x10240xi32, #tpu.memory_space<hbm>>
      %dma_wait3A_32 = arith.constant 0 : i32
      %dma_wait3A_33 = tpu.memref_slice %dma_wait3A_31[%arg1, %dma_wait3A_32] : memref<16x10240xi32, #tpu.memory_space<hbm>> -> memref<1x10240xi32, #tpu.memory_space<hbm>>
      %dma_wait3A_34 = tpu.memref_squeeze %dma_wait3A_33 : memref<1x10240xi32, #tpu.memory_space<hbm>> -> memref<10240xi32, #tpu.memory_space<hbm>>
      tpu.wait_dma2 semaphore(%run_scoped3A : memref<!tpu.dma_semaphore, #tpu.memory_space<semaphore_mem>>) src(%dma_wait3A_34 : memref<10240xi32, #tpu.memory_space<hbm>>) dst(%arg6 : memref<10240xi32, #tpu.memory_space<vmem>>)
      tpu.yield
    }) : () -> ()
    "tpu.region"() ({
      %run_scoped3A = tpu.sem_alloc : memref<!tpu.dma_semaphore, #tpu.memory_space<semaphore_mem>>
      %dma_start3A = arith.constant 0 : i32
      %dma_start3A_9 = arith.constant 0 : i32
      %dma_start3A_10 = tpu.memref_slice %arg3[%arg0, %dma_start3A, %dma_start3A_9] : memref<2x16x10240xi32, #tpu.memory_space<hbm>> -> memref<1x16x10240xi32, #tpu.memory_space<hbm>>
      %dma_start3A_11 = tpu.memref_squeeze %dma_start3A_10 : memref<1x16x10240xi32, #tpu.memory_space<hbm>> -> memref<16x10240xi32, #tpu.memory_space<hbm>>
      %dma_start3A_12 = arith.constant 0 : i32
      %dma_start3A_13 = tpu.memref_slice %dma_start3A_11[%arg1, %dma_start3A_12] : memref<16x10240xi32, #tpu.memory_space<hbm>> -> memref<1x10240xi32, #tpu.memory_space<hbm>>
      %dma_start3A_14 = tpu.memref_squeeze %dma_start3A_13 : memref<1x10240xi32, #tpu.memory_space<hbm>> -> memref<10240xi32, #tpu.memory_space<hbm>>
      %dma_start3A_15 = arith.constant 0 : i32
      %dma_start3A_16 = arith.constant 0 : i32
      %dma_start3A_17 = tpu.memref_slice %arg3[%arg0, %dma_start3A_15, %dma_start3A_16] : memref<2x16x10240xi32, #tpu.memory_space<hbm>> -> memref<1x16x10240xi32, #tpu.memory_space<hbm>>
      %dma_start3A_18 = tpu.memref_squeeze %dma_start3A_17 : memref<1x16x10240xi32, #tpu.memory_space<hbm>> -> memref<16x10240xi32, #tpu.memory_space<hbm>>
      %dma_start3A_19 = arith.constant 0 : i32
      %dma_start3A_20 = tpu.memref_slice %dma_start3A_18[%arg1, %dma_start3A_19] : memref<16x10240xi32, #tpu.memory_space<hbm>> -> memref<1x10240xi32, #tpu.memory_space<hbm>>
      %dma_start3A_21 = tpu.memref_squeeze %dma_start3A_20 : memref<1x10240xi32, #tpu.memory_space<hbm>> -> memref<10240xi32, #tpu.memory_space<hbm>>
      tpu.enqueue_dma source(%dma_start3A_21 : memref<10240xi32, #tpu.memory_space<hbm>>) target(%arg7 : memref<10240xi32, #tpu.memory_space<vmem>>) target_semaphore(%run_scoped3A : memref<!tpu.dma_semaphore, #tpu.memory_space<semaphore_mem>>)
      %dma_wait3A = arith.constant 0 : i32
      %dma_wait3A_22 = arith.constant 0 : i32
      %dma_wait3A_23 = tpu.memref_slice %arg3[%arg0, %dma_wait3A, %dma_wait3A_22] : memref<2x16x10240xi32, #tpu.memory_space<hbm>> -> memref<1x16x10240xi32, #tpu.memory_space<hbm>>
      %dma_wait3A_24 = tpu.memref_squeeze %dma_wait3A_23 : memref<1x16x10240xi32, #tpu.memory_space<hbm>> -> memref<16x10240xi32, #tpu.memory_space<hbm>>
      %dma_wait3A_25 = arith.constant 0 : i32
      %dma_wait3A_26 = tpu.memref_slice %dma_wait3A_24[%arg1, %dma_wait3A_25] : memref<16x10240xi32, #tpu.memory_space<hbm>> -> memref<1x10240xi32, #tpu.memory_space<hbm>>
      %dma_wait3A_27 = tpu.memref_squeeze %dma_wait3A_26 : memref<1x10240xi32, #tpu.memory_space<hbm>> -> memref<10240xi32, #tpu.memory_space<hbm>>
      %dma_wait3A_28 = arith.constant 0 : i32
      %dma_wait3A_29 = arith.constant 0 : i32
      %dma_wait3A_30 = tpu.memref_slice %arg3[%arg0, %dma_wait3A_28, %dma_wait3A_29] : memref<2x16x10240xi32, #tpu.memory_space<hbm>> -> memref<1x16x10240xi32, #tpu.memory_space<hbm>>
      %dma_wait3A_31 = tpu.memref_squeeze %dma_wait3A_30 : memref<1x16x10240xi32, #tpu.memory_space<hbm>> -> memref<16x10240xi32, #tpu.memory_space<hbm>>
      %dma_wait3A_32 = arith.constant 0 : i32
      %dma_wait3A_33 = tpu.memref_slice %dma_wait3A_31[%arg1, %dma_wait3A_32] : memref<16x10240xi32, #tpu.memory_space<hbm>> -> memref<1x10240xi32, #tpu.memory_space<hbm>>
      %dma_wait3A_34 = tpu.memref_squeeze %dma_wait3A_33 : memref<1x10240xi32, #tpu.memory_space<hbm>> -> memref<10240xi32, #tpu.memory_space<hbm>>
      tpu.wait_dma2 semaphore(%run_scoped3A : memref<!tpu.dma_semaphore, #tpu.memory_space<semaphore_mem>>) src(%dma_wait3A_34 : memref<10240xi32, #tpu.memory_space<hbm>>) dst(%arg7 : memref<10240xi32, #tpu.memory_space<vmem>>)
      tpu.yield
    }) : () -> ()
    %broadcast_in_dim3A = arith.constant 1.000000e+00 : f32
    %broadcast_in_dim3A_0 = vector.broadcast %broadcast_in_dim3A : f32 to vector<16xf32>
    %broadcast_in_dim3A_1 = arith.constant 0 : i32
    %broadcast_in_dim3A_2 = vector.broadcast %broadcast_in_dim3A_1 : i32 to vector<16xi32>
    %broadcast_in_dim3A_3 = arith.constant 1 : i32
    %broadcast_in_dim3A_4 = vector.broadcast %broadcast_in_dim3A_3 : i32 to vector<16xi32>
    %scan3A = arith.constant 0 : i32
    %scan3A_5 = arith.constant 640 : i32
    %scan3A_6 = arith.addi %scan3A, %scan3A_5 : i32
    %scan3A_7 = arith.constant 1 : i32
    scf.for %scan3A_9 = %scan3A to %scan3A_6 step %scan3A_7  : i32 {
      %mul3A = arith.constant 16 : i32
      %mul3A_10 = arith.muli %scan3A_9, %mul3A : i32
      %add3A = arith.constant 0 : i32
      %add3A_11 = arith.addi %add3A, %mul3A_10 : i32
      %get3A = arith.index_cast %add3A_11 : i32 to index
      %get3A_12 = tpu.vector_load %arg6[%get3A] {strides = array<i32>} : memref<10240xi32, #tpu.memory_space<vmem>>, vector<16xi32>,
      %get3A_13 = arith.index_cast %add3A_11 : i32 to index
      %get3A_14 = tpu.vector_load %arg7[%get3A_13] {strides = array<i32>} : memref<10240xi32, #tpu.memory_space<vmem>>, vector<16xi32>,
      tpu.vector_store_idx %arg8[%broadcast_in_dim3A_2, %get3A_12], %broadcast_in_dim3A_0 {add = true} : memref<2x10016xf32, #tpu.memory_space<vmem>>[vector<16xi32>, vector<16xi32>], vector<16xf32>,
      tpu.vector_store_idx %arg8[%broadcast_in_dim3A_4, %get3A_14], %broadcast_in_dim3A_0 {add = true} : memref<2x10016xf32, #tpu.memory_space<vmem>>[vector<16xi32>, vector<16xi32>], vector<16xf32>,
    }
    %scan3A_8 = arith.constant 640 : i32
    "tpu.region"() ({
      %run_scoped3A = tpu.sem_alloc : memref<!tpu.dma_semaphore, #tpu.memory_space<semaphore_mem>>
      %dma_start3A = arith.constant 0 : i32
      %dma_start3A_9 = arith.constant 0 : i32
      %dma_start3A_10 = arith.constant 0 : i32
      %dma_start3A_11 = tpu.memref_slice %arg5[%arg0, %dma_start3A, %dma_start3A_9, %dma_start3A_10] : memref<2x16x2x10016xf32, #tpu.memory_space<hbm>> -> memref<1x16x2x10016xf32, #tpu.memory_space<hbm>>
      %dma_start3A_12 = tpu.memref_squeeze %dma_start3A_11 : memref<1x16x2x10016xf32, #tpu.memory_space<hbm>> -> memref<16x2x10016xf32, #tpu.memory_space<hbm>>
      %dma_start3A_13 = arith.constant 0 : i32
      %dma_start3A_14 = arith.constant 0 : i32
      %dma_start3A_15 = tpu.memref_slice %dma_start3A_12[%arg1, %dma_start3A_13, %dma_start3A_14] : memref<16x2x10016xf32, #tpu.memory_space<hbm>> -> memref<1x2x10016xf32, #tpu.memory_space<hbm>>
      %dma_start3A_16 = tpu.memref_squeeze %dma_start3A_15 : memref<1x2x10016xf32, #tpu.memory_space<hbm>> -> memref<2x10016xf32, #tpu.memory_space<hbm>>
      %dma_start3A_17 = arith.constant 0 : i32
      %dma_start3A_18 = arith.constant 0 : i32
      %dma_start3A_19 = arith.constant 0 : i32
      %dma_start3A_20 = tpu.memref_slice %arg5[%arg0, %dma_start3A_17, %dma_start3A_18, %dma_start3A_19] : memref<2x16x2x10016xf32, #tpu.memory_space<hbm>> -> memref<1x16x2x10016xf32, #tpu.memory_space<hbm>>
      %dma_start3A_21 = tpu.memref_squeeze %dma_start3A_20 : memref<1x16x2x10016xf32, #tpu.memory_space<hbm>> -> memref<16x2x10016xf32, #tpu.memory_space<hbm>>
      %dma_start3A_22 = arith.constant 0 : i32
      %dma_start3A_23 = arith.constant 0 : i32
      %dma_start3A_24 = tpu.memref_slice %dma_start3A_21[%arg1, %dma_start3A_22, %dma_start3A_23] : memref<16x2x10016xf32, #tpu.memory_space<hbm>> -> memref<1x2x10016xf32, #tpu.memory_space<hbm>>
      %dma_start3A_25 = tpu.memref_squeeze %dma_start3A_24 : memref<1x2x10016xf32, #tpu.memory_space<hbm>> -> memref<2x10016xf32, #tpu.memory_space<hbm>>
      tpu.enqueue_dma source(%arg8 : memref<2x10016xf32, #tpu.memory_space<vmem>>) target(%dma_start3A_25 : memref<2x10016xf32, #tpu.memory_space<hbm>>) target_semaphore(%run_scoped3A : memref<!tpu.dma_semaphore, #tpu.memory_space<semaphore_mem>>)
      %dma_wait3A = arith.constant 0 : i32
      %dma_wait3A_26 = arith.constant 0 : i32
      %dma_wait3A_27 = arith.constant 0 : i32
      %dma_wait3A_28 = tpu.memref_slice %arg5[%arg0, %dma_wait3A, %dma_wait3A_26, %dma_wait3A_27] : memref<2x16x2x10016xf32, #tpu.memory_space<hbm>> -> memref<1x16x2x10016xf32, #tpu.memory_space<hbm>>
      %dma_wait3A_29 = tpu.memref_squeeze %dma_wait3A_28 : memref<1x16x2x10016xf32, #tpu.memory_space<hbm>> -> memref<16x2x10016xf32, #tpu.memory_space<hbm>>
      %dma_wait3A_30 = arith.constant 0 : i32
      %dma_wait3A_31 = arith.constant 0 : i32
      %dma_wait3A_32 = tpu.memref_slice %dma_wait3A_29[%arg1, %dma_wait3A_30, %dma_wait3A_31] : memref<16x2x10016xf32, #tpu.memory_space<hbm>> -> memref<1x2x10016xf32, #tpu.memory_space<hbm>>
      %dma_wait3A_33 = tpu.memref_squeeze %dma_wait3A_32 : memref<1x2x10016xf32, #tpu.memory_space<hbm>> -> memref<2x10016xf32, #tpu.memory_space<hbm>>
      %dma_wait3A_34 = arith.constant 0 : i32
      %dma_wait3A_35 = arith.constant 0 : i32
      %dma_wait3A_36 = arith.constant 0 : i32
      %dma_wait3A_37 = tpu.memref_slice %arg5[%arg0, %dma_wait3A_34, %dma_wait3A_35, %dma_wait3A_36] : memref<2x16x2x10016xf32, #tpu.memory_space<hbm>> -> memref<1x16x2x10016xf32, #tpu.memory_space<hbm>>
      %dma_wait3A_38 = tpu.memref_squeeze %dma_wait3A_37 : memref<1x16x2x10016xf32, #tpu.memory_space<hbm>> -> memref<16x2x10016xf32, #tpu.memory_space<hbm>>
      %dma_wait3A_39 = arith.constant 0 : i32
      %dma_wait3A_40 = arith.constant 0 : i32
      %dma_wait3A_41 = tpu.memref_slice %dma_wait3A_38[%arg1, %dma_wait3A_39, %dma_wait3A_40] : memref<16x2x10016xf32, #tpu.memory_space<hbm>> -> memref<1x2x10016xf32, #tpu.memory_space<hbm>>
      %dma_wait3A_42 = tpu.memref_squeeze %dma_wait3A_41 : memref<1x2x10016xf32, #tpu.memory_space<hbm>> -> memref<2x10016xf32, #tpu.memory_space<hbm>>
      tpu.wait_dma2 semaphore(%run_scoped3A : memref<!tpu.dma_semaphore, #tpu.memory_space<semaphore_mem>>) src(%arg8 : memref<2x10016xf32, #tpu.memory_space<vmem>>) dst(%dma_wait3A_42 : memref<2x10016xf32, #tpu.memory_space<hbm>>)
      tpu.yield
    }) : () -> ()
    return
  }
}

module attributes {stable_mosaic.version = 14 : i64} {
  func.func @_mm_scale_body(%arg0: i32, %arg1: memref<1000x128xf32, #tpu.memory_space<vmem>>, %arg2: memref<128x128xf32, #tpu.memory_space<vmem>>, %arg3: memref<1000x32xf32, #tpu.memory_space<vmem>>, %arg4: memref<1000x128xf32, #tpu.memory_space<vmem>>) attributes {dimension_semantics = [#tpu.dimension_semantics<arbitrary>], iteration_bounds = array<i64: 10>, scalar_prefetch = 0 : i64, scratch_operands = 0 : i64, tpu.core_type = #tpu.core_type<tc>, window_params = [{transform_indices = @transform_0, window_bounds = array<i64: 1000, 128>}, {pipeline_mode = #tpu.pipeline_mode<synchronous>, transform_indices = @transform_1, window_bounds = array<i64: 128, 128>}, {transform_indices = @transform_2, window_bounds = array<i64: 1000, 32>}, {transform_indices = @transform_3, window_bounds = array<i64: 1000, 128>}]} {
    %get3A = arith.constant 0 : index
    %get3A_0 = arith.constant 0 : index
    %get3A_1 = vector.load %arg1[%get3A, %get3A_0] : memref<1000x128xf32, #tpu.memory_space<vmem>>, vector<1000x128xf32>
    %get3A_2 = arith.constant 0 : index
    %get3A_3 = arith.constant 0 : index
    %get3A_4 = vector.load %arg2[%get3A_2, %get3A_3] : memref<128x128xf32, #tpu.memory_space<vmem>>, vector<128x128xf32>
    %dot_general3A = arith.constant dense<0.000000e+00> : vector<1000x128xf32>
    %dot_general3A_5 = tpu.matmul %get3A_1, %get3A_4, %dot_general3A {dimension_numbers = #tpu.dot_dimension_numbers<[1], [0], [0], [1], [0, 0, 1, 1], [], []>, transpose_lhs_hint = false} : vector<1000x128xf32>, vector<128x128xf32>, vector<1000x128xf32> -> vector<1000x128xf32>
    %get3A_6 = arith.constant 0 : index
    %get3A_7 = arith.constant 0 : index
    %get3A_8 = vector.load %arg3[%get3A_6, %get3A_7] : memref<1000x32xf32, #tpu.memory_space<vmem>>, vector<1000x32xf32>
    %reduce_sum3A = arith.constant dense<0.000000e+00> : vector<1000xf32>
    %reduce_sum3A_9 = vector.multi_reduction <add>, %get3A_8, %reduce_sum3A [1] : vector<1000x32xf32> to vector<1000xf32>
    %broadcast_in_dim3A = vector.shape_cast %reduce_sum3A_9 : vector<1000xf32> to vector<1000x1xf32>
    %max3A = arith.constant 1.000000e+00 : f32
    %max3A_10 = vector.broadcast %max3A : f32 to vector<1000x1xf32>
    %max3A_11 = arith.maximumf %broadcast_in_dim3A, %max3A_10 : vector<1000x1xf32>
    %rsqrt3A = math.rsqrt %max3A_11 : vector<1000x1xf32>
    %mul3A = vector.broadcast %rsqrt3A : vector<1000x1xf32> to vector<1000x128xf32>
    %mul3A_12 = arith.mulf %dot_general3A_5, %mul3A : vector<1000x128xf32>
    %swap3A = arith.constant 0 : index
    %swap3A_13 = arith.constant 0 : index
    %swap3A_14 = vector.load %arg4[%swap3A, %swap3A_13] : memref<1000x128xf32, #tpu.memory_space<vmem>>, vector<1000x128xf32>
    tpu.vector_store %arg4[%swap3A, %swap3A_13], %mul3A_12 {strides = array<i32>} : memref<1000x128xf32, #tpu.memory_space<vmem>>, vector<1000x128xf32>,
    return
  }
  func.func @transform_0(%arg0: i32) -> (i32, i32) {
    %c0_i32 = arith.constant 0 : i32
    %c0_i32_0 = arith.constant 0 : i32
    return %arg0, %c0_i32 : i32, i32
  }
  func.func @transform_1(%arg0: i32) -> (i32, i32) {
    %c0_i32 = arith.constant 0 : i32
    %c0_i32_0 = arith.constant 0 : i32
    %c0_i32_1 = arith.constant 0 : i32
    return %c0_i32, %c0_i32_0 : i32, i32
  }
  func.func @transform_2(%arg0: i32) -> (i32, i32) {
    %c0_i32 = arith.constant 0 : i32
    %c0_i32_0 = arith.constant 0 : i32
    return %arg0, %c0_i32 : i32, i32
  }
  func.func @transform_3(%arg0: i32) -> (i32, i32) {
    %c0_i32 = arith.constant 0 : i32
    %c0_i32_0 = arith.constant 0 : i32
    return %arg0, %c0_i32 : i32, i32
  }
}

module attributes {stable_mosaic.version = 14 : i64} {
  func.func @_mid_body(%arg0: i32, %arg1: memref<2x1000x128xf32, #tpu.memory_space<vmem>>, %arg2: memref<1000x32xf32, #tpu.memory_space<vmem>>, %arg3: memref<1x128xf32, #tpu.memory_space<vmem>>, %arg4: memref<128x128xf32, #tpu.memory_space<vmem>>, %arg5: memref<1000x32xf32, #tpu.memory_space<vmem>>, %arg6: memref<1000x128xf32, #tpu.memory_space<vmem>>) attributes {dimension_semantics = [#tpu.dimension_semantics<arbitrary>], iteration_bounds = array<i64: 10>, scalar_prefetch = 0 : i64, scratch_operands = 0 : i64, tpu.core_type = #tpu.core_type<tc>, window_params = [{transform_indices = @transform_0, window_bounds = array<i64: 2, 1000, 128>}, {transform_indices = @transform_1, window_bounds = array<i64: 1000, 32>}, {pipeline_mode = #tpu.pipeline_mode<synchronous>, transform_indices = @transform_2, window_bounds = array<i64: 1, 128>}, {pipeline_mode = #tpu.pipeline_mode<synchronous>, transform_indices = @transform_3, window_bounds = array<i64: 128, 128>}, {transform_indices = @transform_4, window_bounds = array<i64: 1000, 32>}, {transform_indices = @transform_5, window_bounds = array<i64: 1000, 128>}]} {
    %get3A = arith.constant 0 : index
    %get3A_0 = arith.constant 0 : index
    %get3A_1 = arith.constant 0 : index
    %get3A_2 = vector.load %arg1[%get3A, %get3A_0, %get3A_1] : memref<2x1000x128xf32, #tpu.memory_space<vmem>>, vector<1x1000x128xf32>
    %get3A_3 = vector.shape_cast %get3A_2 : vector<1x1000x128xf32> to vector<1000x128xf32>
    %get3A_4 = arith.constant 1 : index
    %get3A_5 = arith.constant 0 : index
    %get3A_6 = arith.constant 0 : index
    %get3A_7 = vector.load %arg1[%get3A_4, %get3A_5, %get3A_6] : memref<2x1000x128xf32, #tpu.memory_space<vmem>>, vector<1x1000x128xf32>
    %get3A_8 = vector.shape_cast %get3A_7 : vector<1x1000x128xf32> to vector<1000x128xf32>
    %add3A = arith.addf %get3A_3, %get3A_8 : vector<1000x128xf32>
    %get3A_9 = arith.constant 0 : index
    %get3A_10 = arith.constant 0 : index
    %get3A_11 = vector.load %arg2[%get3A_9, %get3A_10] : memref<1000x32xf32, #tpu.memory_space<vmem>>, vector<1000x32xf32>
    %reduce_sum3A = arith.constant dense<0.000000e+00> : vector<1000xf32>
    %reduce_sum3A_12 = vector.multi_reduction <add>, %get3A_11, %reduce_sum3A [1] : vector<1000x32xf32> to vector<1000xf32>
    %broadcast_in_dim3A = vector.shape_cast %reduce_sum3A_12 : vector<1000xf32> to vector<1000x1xf32>
    %max3A = arith.constant 1.000000e+00 : f32
    %max3A_13 = vector.broadcast %max3A : f32 to vector<1000x1xf32>
    %max3A_14 = arith.maximumf %broadcast_in_dim3A, %max3A_13 : vector<1000x1xf32>
    %rsqrt3A = math.rsqrt %max3A_14 : vector<1000x1xf32>
    %mul3A = vector.broadcast %rsqrt3A : vector<1000x1xf32> to vector<1000x128xf32>
    %mul3A_15 = arith.mulf %add3A, %mul3A : vector<1000x128xf32>
    %get3A_16 = arith.constant 0 : index
    %get3A_17 = arith.constant 0 : index
    %get3A_18 = vector.load %arg3[%get3A_16, %get3A_17] : memref<1x128xf32, #tpu.memory_space<vmem>>, vector<1x128xf32>
    %add3A_19 = vector.broadcast %get3A_18 : vector<1x128xf32> to vector<1000x128xf32>
    %add3A_20 = arith.addf %mul3A_15, %add3A_19 : vector<1000x128xf32>
    %max3A_21 = arith.constant 0.000000e+00 : f32
    %max3A_22 = vector.broadcast %max3A_21 : f32 to vector<1000x128xf32>
    %max3A_23 = arith.maximumf %add3A_20, %max3A_22 : vector<1000x128xf32>
    %get3A_24 = arith.constant 0 : index
    %get3A_25 = arith.constant 0 : index
    %get3A_26 = vector.load %arg4[%get3A_24, %get3A_25] : memref<128x128xf32, #tpu.memory_space<vmem>>, vector<128x128xf32>
    %dot_general3A = arith.constant dense<0.000000e+00> : vector<1000x128xf32>
    %dot_general3A_27 = tpu.matmul %max3A_23, %get3A_26, %dot_general3A {dimension_numbers = #tpu.dot_dimension_numbers<[1], [0], [0], [1], [0, 0, 1, 1], [], []>, transpose_lhs_hint = false} : vector<1000x128xf32>, vector<128x128xf32>, vector<1000x128xf32> -> vector<1000x128xf32>
    %get3A_28 = arith.constant 0 : index
    %get3A_29 = arith.constant 0 : index
    %get3A_30 = vector.load %arg5[%get3A_28, %get3A_29] : memref<1000x32xf32, #tpu.memory_space<vmem>>, vector<1000x32xf32>
    %reduce_sum3A_31 = arith.constant dense<0.000000e+00> : vector<1000xf32>
    %reduce_sum3A_32 = vector.multi_reduction <add>, %get3A_30, %reduce_sum3A_31 [1] : vector<1000x32xf32> to vector<1000xf32>
    %broadcast_in_dim3A_33 = vector.shape_cast %reduce_sum3A_32 : vector<1000xf32> to vector<1000x1xf32>
    %max3A_34 = arith.constant 1.000000e+00 : f32
    %max3A_35 = vector.broadcast %max3A_34 : f32 to vector<1000x1xf32>
    %max3A_36 = arith.maximumf %broadcast_in_dim3A_33, %max3A_35 : vector<1000x1xf32>
    %rsqrt3A_37 = math.rsqrt %max3A_36 : vector<1000x1xf32>
    %mul3A_38 = vector.broadcast %rsqrt3A_37 : vector<1000x1xf32> to vector<1000x128xf32>
    %mul3A_39 = arith.mulf %dot_general3A_27, %mul3A_38 : vector<1000x128xf32>
    %swap3A = arith.constant 0 : index
    %swap3A_40 = arith.constant 0 : index
    %swap3A_41 = vector.load %arg6[%swap3A, %swap3A_40] : memref<1000x128xf32, #tpu.memory_space<vmem>>, vector<1000x128xf32>
    tpu.vector_store %arg6[%swap3A, %swap3A_40], %mul3A_39 {strides = array<i32>} : memref<1000x128xf32, #tpu.memory_space<vmem>>, vector<1000x128xf32>,
    return
  }
  func.func @transform_0(%arg0: i32) -> (i32, i32, i32) {
    %c0_i32 = arith.constant 0 : i32
    %c0_i32_0 = arith.constant 0 : i32
    %c0_i32_1 = arith.constant 0 : i32
    return %c0_i32, %arg0, %c0_i32_0 : i32, i32, i32
  }
  func.func @transform_1(%arg0: i32) -> (i32, i32) {
    %c0_i32 = arith.constant 0 : i32
    %c0_i32_0 = arith.constant 0 : i32
    return %arg0, %c0_i32 : i32, i32
  }
  func.func @transform_2(%arg0: i32) -> (i32, i32) {
    %c0_i32 = arith.constant 0 : i32
    %c0_i32_0 = arith.constant 0 : i32
    %c0_i32_1 = arith.constant 0 : i32
    return %c0_i32, %c0_i32_0 : i32, i32
  }
  func.func @transform_3(%arg0: i32) -> (i32, i32) {
    %c0_i32 = arith.constant 0 : i32
    %c0_i32_0 = arith.constant 0 : i32
    %c0_i32_1 = arith.constant 0 : i32
    return %c0_i32, %c0_i32_0 : i32, i32
  }
  func.func @transform_4(%arg0: i32) -> (i32, i32) {
    %c0_i32 = arith.constant 0 : i32
    %c0_i32_0 = arith.constant 0 : i32
    return %arg0, %c0_i32 : i32, i32
  }
  func.func @transform_5(%arg0: i32) -> (i32, i32) {
    %c0_i32 = arith.constant 0 : i32
    %c0_i32_0 = arith.constant 0 : i32
    return %arg0, %c0_i32 : i32, i32
  }
}

module attributes {stable_mosaic.version = 14 : i64} {
  func.func @_final_body(%arg0: i32, %arg1: memref<2x1000x128xf32, #tpu.memory_space<vmem>>, %arg2: memref<1000x32xf32, #tpu.memory_space<vmem>>, %arg3: memref<1x128xf32, #tpu.memory_space<vmem>>, %arg4: memref<1000x128xf32, #tpu.memory_space<vmem>>) attributes {dimension_semantics = [#tpu.dimension_semantics<arbitrary>], iteration_bounds = array<i64: 10>, scalar_prefetch = 0 : i64, scratch_operands = 0 : i64, tpu.core_type = #tpu.core_type<tc>, window_params = [{transform_indices = @transform_0, window_bounds = array<i64: 2, 1000, 128>}, {transform_indices = @transform_1, window_bounds = array<i64: 1000, 32>}, {pipeline_mode = #tpu.pipeline_mode<synchronous>, transform_indices = @transform_2, window_bounds = array<i64: 1, 128>}, {transform_indices = @transform_3, window_bounds = array<i64: 1000, 128>}]} {
    %get3A = arith.constant 0 : index
    %get3A_0 = arith.constant 0 : index
    %get3A_1 = arith.constant 0 : index
    %get3A_2 = vector.load %arg1[%get3A, %get3A_0, %get3A_1] : memref<2x1000x128xf32, #tpu.memory_space<vmem>>, vector<1x1000x128xf32>
    %get3A_3 = vector.shape_cast %get3A_2 : vector<1x1000x128xf32> to vector<1000x128xf32>
    %get3A_4 = arith.constant 1 : index
    %get3A_5 = arith.constant 0 : index
    %get3A_6 = arith.constant 0 : index
    %get3A_7 = vector.load %arg1[%get3A_4, %get3A_5, %get3A_6] : memref<2x1000x128xf32, #tpu.memory_space<vmem>>, vector<1x1000x128xf32>
    %get3A_8 = vector.shape_cast %get3A_7 : vector<1x1000x128xf32> to vector<1000x128xf32>
    %add3A = arith.addf %get3A_3, %get3A_8 : vector<1000x128xf32>
    %get3A_9 = arith.constant 0 : index
    %get3A_10 = arith.constant 0 : index
    %get3A_11 = vector.load %arg2[%get3A_9, %get3A_10] : memref<1000x32xf32, #tpu.memory_space<vmem>>, vector<1000x32xf32>
    %reduce_sum3A = arith.constant dense<0.000000e+00> : vector<1000xf32>
    %reduce_sum3A_12 = vector.multi_reduction <add>, %get3A_11, %reduce_sum3A [1] : vector<1000x32xf32> to vector<1000xf32>
    %broadcast_in_dim3A = vector.shape_cast %reduce_sum3A_12 : vector<1000xf32> to vector<1000x1xf32>
    %max3A = arith.constant 1.000000e+00 : f32
    %max3A_13 = vector.broadcast %max3A : f32 to vector<1000x1xf32>
    %max3A_14 = arith.maximumf %broadcast_in_dim3A, %max3A_13 : vector<1000x1xf32>
    %rsqrt3A = math.rsqrt %max3A_14 : vector<1000x1xf32>
    %mul3A = vector.broadcast %rsqrt3A : vector<1000x1xf32> to vector<1000x128xf32>
    %mul3A_15 = arith.mulf %add3A, %mul3A : vector<1000x128xf32>
    %get3A_16 = arith.constant 0 : index
    %get3A_17 = arith.constant 0 : index
    %get3A_18 = vector.load %arg3[%get3A_16, %get3A_17] : memref<1x128xf32, #tpu.memory_space<vmem>>, vector<1x128xf32>
    %add3A_19 = vector.broadcast %get3A_18 : vector<1x128xf32> to vector<1000x128xf32>
    %add3A_20 = arith.addf %mul3A_15, %add3A_19 : vector<1000x128xf32>
    %max3A_21 = arith.constant 0.000000e+00 : f32
    %max3A_22 = vector.broadcast %max3A_21 : f32 to vector<1000x128xf32>
    %max3A_23 = arith.maximumf %add3A_20, %max3A_22 : vector<1000x128xf32>
    %swap3A = arith.constant 0 : index
    %swap3A_24 = arith.constant 0 : index
    %swap3A_25 = vector.load %arg4[%swap3A, %swap3A_24] : memref<1000x128xf32, #tpu.memory_space<vmem>>, vector<1000x128xf32>
    tpu.vector_store %arg4[%swap3A, %swap3A_24], %max3A_23 {strides = array<i32>} : memref<1000x128xf32, #tpu.memory_space<vmem>>, vector<1000x128xf32>,
    return
  }
  func.func @transform_0(%arg0: i32) -> (i32, i32, i32) {
    %c0_i32 = arith.constant 0 : i32
    %c0_i32_0 = arith.constant 0 : i32
    %c0_i32_1 = arith.constant 0 : i32
    return %c0_i32, %arg0, %c0_i32_0 : i32, i32, i32
  }
  func.func @transform_1(%arg0: i32) -> (i32, i32) {
    %c0_i32 = arith.constant 0 : i32
    %c0_i32_0 = arith.constant 0 : i32
    return %arg0, %c0_i32 : i32, i32
  }
  func.func @transform_2(%arg0: i32) -> (i32, i32) {
    %c0_i32 = arith.constant 0 : i32
    %c0_i32_0 = arith.constant 0 : i32
    %c0_i32_1 = arith.constant 0 : i32
    return %c0_i32, %c0_i32_0 : i32, i32
  }
  func.func @transform_3(%arg0: i32) -> (i32, i32) {
    %c0_i32 = arith.constant 0 : i32
    %c0_i32_0 = arith.constant 0 : i32
    return %arg0, %c0_i32 : i32, i32
  }
}

</mosaic_0001>

<sc_bundles>
// kernel: kernel.11.cloned.1.call-start
scs
__scs_entry_jumppad:
0x0: {  	(pc) =	sbr.rel $0x88, $3  }
0x1: {  	(tag) =	ssettag $0x0;
	lr =	simm.s32 $0x1  }
0x2: {  	[smem:$0x3F9B] =	sst lr;
	_ =	strace $0xD0000000  }
0x3: {  	_ = 	snop  }
0x4: {  	_ = 	snop  }
0x5: {  	_ = 	snop  }
0x6: {  	_ = 	snop  }
0x7: {  	_ = 	snop  }
__scs_overlays_trampoline_lowered:
0x8: {  	[smem:$0x3FAA] =	sst s0  }
0x9: {  	[smem:$0x3FAB] =	sst s1  }
0xa: {  	[smem:$0x3FAC] =	sst s2  }
0xb: {  	[smem:$0x3FAD] =	sst s3  }
0xc: {  	[smem:$0x3FAE] =	sst s4  }
0xd: {  	[smem:$0x3FAF] =	sst s5  }
0xe: {  	[smem:$0x3FB0] =	sst s6  }
0xf: {  	[smem:$0x3FB1] =	sst s7  }
0x10: {  	[smem:$0x3FB2] =	sst s8  }
0x11: {  	[smem:$0x3FB3] =	sst s9;
	s0 =	simm.s32 @!p0 $0x0  }
0x12: {  	s1 =	sld [smem:$0x3F99];
	s0 =	simm.s32 @p0 $0x1  }
0x13: {  	[smem:$0x3FB4] =	sst s0;
	s0 =	simm.s32 @!p1 $0x0  }
0x14: {  	s2 =	sld [smem:$0x3F98];
	s0 =	simm.s32 @p1 $0x1  }
0x15: {  	[smem:$0x3FB5] =	sst s0;
	s0 =	simm.s32 @!p2 $0x0  }
0x16: {  	s3 =	sld [smem:$0x3FDB];
	s0 =	simm.s32 @p2 $0x1  }
0x17: {  	s4 =	simm.s32 $0x1BF5;
	[smem:$0x3FB7] =	sst s0  }
0x18: {  	s0 =	sld [smem:$0x3F9A];
	_ =	swait.ge [sflag:s4], $0x0  }
0x19: {  	s7 =	sld [smem:$0x3F9B]  }
0x1a: {  	s8 =	sadd.s32 $0xFFFFE003, lr  }
0x1b: {  	s9 =	sadd.s32 $0xFFFFFEF7, lr;
	s5 =	simm.s32 $0xFFFFFFFF;
	p2 =	slt.u32 s8, $0xFFFFF086  }
0x1c: {  	p1 =	slt.u32 s9, $0xF7A;
	s5 =	simm.s32 @!p2 $0x0  }
0x1d: {  	s5 =	simm.s32 @p1 $0x1;
	p0 =	seq.s32 s7, s2  }
0x1e: {  	s7 =	smul.u32 @!p0 $0xF7A, s2;
	p2 =	seq.s32 @!p0 s5, $0x0  }
0x1f: {  	s9 =	smul.u32 $0xF7A, s1;
	s8 =	simm.s32 @!p0 $0x1BF5;
	p2 =	por !p2, p0  }
0x20: {  	[sflag:s8] =	ssyncset.s32 @!p0 $0xFFFFF086;
	s6 =	sadd.s32 @!p0 s3, s7;
	s7 =	simm.s32 @!p0 $0x108  }
0x21: {  	s3 =	sadd.s32 s3, s9;
	s6 =	sadd.s32 @!p0 $0x88, s6;
	s7 =	simm.s32 @p2 $0x1082  }
0x22: {  	[simem:s7], [sflag:s8] =	dma.local @!p0 [hbm:s6], $0xF7A  }
0x23: {  	s9 =	sor.u32 $0xD0000000, s2;
	s6 =	simm.s32 $0x108;
	_ =	swait.ge @!p0 [sflag:s8], $0x0  }
0x24: {  	s3 =	sadd.s32 $0x88, s3;
	s6 =	simm.s32 @!p1 $0x1082;
	[sflag:s4] =	ssyncset.s32 $0xFFFFF086  }
0x25: {  	[simem:s6], [sflag:s4] =	dma.local [hbm:s3], $0xF7A  }
0x26: {  	[smem:$0x3F9B] =	sst s1;
	(tag) =	ssettag s2;
	_ =	strace s9  }
0x27: {  	s1 =	sld [smem:$0x3FAB]  }
0x28: {  	s2 =	sld [smem:$0x3FAC]  }
0x29: {  	s4 =	sld [smem:$0x3FAE]  }
0x2a: {  	p0 =	seq.s32 s5, $0x0;
	s5 =	sld [smem:$0x3FAF]  }
0x2b: {  	s6 =	sld [smem:$0x3FB0]  }
0x2c: {  	s7 =	sld [smem:$0x3FB1]  }
0x2d: {  	s3 =	simm.s32 $0x108;
	s8 =	sld [smem:$0x3FB2]  }
0x2e: {  	s3 =	simm.s32 @!p0 $0x1082;
	s9 =	sld [smem:$0x3FB3]  }
0x2f: {  	lr =	sadd.s32 s0, s3;
	s0 =	sld [smem:$0x3FAA]  }
0x30: {  	s3 =	sld [smem:$0x3FAD]  }
0x31: {  	[smem:$0x3FB6] =	sst s10  }
0x32: {  	s10 =	sld [smem:$0x3FB4];
	_ =	sdelay $0x3  }
0x33: {  	p0 =	seq.s32 s10, $0x1;
	s10 =	sld [smem:$0x3FB6];
	_ =	sdelay $0x3  }
0x34: {  	[smem:$0x3FB6] =	sst s10  }
0x35: {  	s10 =	sld [smem:$0x3FB5];
	_ =	sdelay $0x3  }
0x36: {  	p1 =	seq.s32 s10, $0x1;
	s10 =	sld [smem:$0x3FB6];
	_ =	sdelay $0x3  }
0x37: {  	[smem:$0x3FB6] =	sst s10  }
0x38: {  	s10 =	sld [smem:$0x3FB7]  }
0x39: {  	_ = 	snop;
	(pc) =	sbr.ind lr, $3  }
0x3a: {  	_ = 	snop  }
0x3b: {  	_ = 	snop  }
0x3c: {  	p2 =	seq.s32 s10, $0x1;
	s10 =	sld [smem:$0x3FB6]  }
0x3d: {  	_ =	shalt  }
0x3e: {  	_ =	shalt  }
0x3f: {  	_ =	shalt  }
0x40: {  	_ =	shalt  }
0x41: {  	_ =	shalt  }
0x42: {  	_ =	shalt  }
0x43: {  	_ =	shalt  }
0x44: {  	_ =	shalt  }
0x45: {  	_ =	shalt  }
0x46: {  	_ =	shalt  }
0x47: {  	_ =	shalt  }
0x48: {  	_ =	shalt  }
0x49: {  	_ =	shalt  }
0x4a: {  	_ =	shalt  }
0x4b: {  	_ =	shalt  }
0x4c: {  	_ =	shalt  }
0x4d: {  	_ =	shalt  }
0x4e: {  	_ =	shalt  }
0x4f: {  	_ =	shalt  }
0x50: {  	_ =	shalt  }
0x51: {  	_ =	shalt  }
0x52: {  	_ =	shalt  }
0x53: {  	_ =	shalt  }
0x54: {  	_ =	shalt  }
0x55: {  	_ =	shalt  }
0x56: {  	_ =	shalt  }
0x57: {  	_ =	shalt  }
0x58: {  	_ =	shalt  }
0x59: {  	_ =	shalt  }
0x5a: {  	_ =	shalt  }
0x5b: {  	_ =	shalt  }
0x5c: {  	_ =	shalt  }
0x5d: {  	_ =	shalt  }
0x5e: {  	_ =	shalt  }
0x5f: {  	_ =	shalt  }
0x60: {  	_ =	shalt  }
0x61: {  	_ =	shalt  }
0x62: {  	_ =	shalt  }
0x63: {  	_ =	shalt  }
0x64: {  	_ =	shalt  }
0x65: {  	_ =	shalt  }
0x66: {  	_ =	shalt  }
0x67: {  	_ =	shalt  }
0x68: {  	_ =	shalt  }
0x69: {  	_ =	shalt  }
0x6a: {  	_ =	shalt  }
0x6b: {  	_ =	shalt  }
0x6c: {  	_ =	shalt  }
0x6d: {  	_ =	shalt  }
0x6e: {  	_ =	shalt  }
0x6f: {  	_ =	shalt  }
0x70: {  	_ =	shalt  }
0x71: {  	_ =	shalt  }
0x72: {  	_ =	shalt  }
0x73: {  	_ =	shalt  }
0x74: {  	_ =	shalt  }
0x75: {  	_ =	shalt  }
0x76: {  	_ =	shalt  }
0x77: {  	_ =	shalt  }
0x78: {  	_ =	shalt  }
0x79: {  	_ =	shalt  }
0x7a: {  	_ =	shalt  }
0x7b: {  	_ =	shalt  }
0x7c: {  	_ =	shalt  }
0x7d: {  	_ =	shalt  }
0x7e: {  	_ =	shalt  }
0x7f: {  	_ =	shalt  }
0x80: {  	_ =	shalt  }
0x81: {  	_ =	shalt  }
0x82: {  	_ =	shalt  }
0x83: {  	_ =	shalt  }
0x84: {  	_ =	shalt  }
0x85: {  	_ =	shalt  }
0x86: {  	_ =	shalt  }
0x87: {  	_ =	shalt  }
.Lfunc_end0:
.L_simem_size_0:
called_computation.1_lowered:
.L_overlay_start_0:
0x88: {  	s2 =	sld [smem:$0x3FD9]  }
0x89: {  	s3 =	sld [smem:$0x3FFE];
	_ =	sdelay $0x1  }
0x8a: {  	s1 =	srdreg.scid  }
0x8b: {  	s0 =	sand.u32 $0x1, s1  }
0x8c: {  	s17 =	sshll.u32 s0, $0xA;
	s2 =	sadd.s32 s3, s2  }
0x8d: {  	s2 =	sadd.s32 s2, s17  }
0x8e: {  	[smem:$0x3FC2] =	sst s2  }
0x8f: {  	_ = 	snop  }
0x90: {  	s2 =	sld [smem:$0x3FD0];
	(tm) =	ssettm $0x1  }
0x91: {  	s18 =	sld [smem:$0x3FFB];
	_ =	sdelay $0x3  }
0x92: {  	_ =	strace s18  }
0x93: {  	s3 =	sld [smem:$0x3FFC];
	_ =	sdelay $0x3  }
0x94: {  	_ =	strace s3  }
0x95: {  	s3 =	sld [smem:$0x3FFD];
	_ =	sdelay $0x3  }
0x96: {  	_ =	strace s3  }
0x97: {  	_ =	strace $0x8FFFFFFF  }
0x98: {  	s19 =	sld [smem:$0x3FDB];
	_ =	sdelay $0x1  }
0x99: {  	s4 =	simm.s32 $_scs_section_size  }
0x9a: {  	s5 =	simm.s32 $_size__tile_overlayer_lowered;
	s6 =	simm.s32 $_tile_overlayer_lowered  }
0x9b: {  	s22 =	simm.s32 $0x1BFF;
	s21 =	sshll.u32 s6, $0x1;
	s3 =	sadd.s32 s4, s19  }
0x9c: {  	s7 =	simm.s32 $0x0;
	s20 =	sshll.u32 s5, $0x1;
	s5 =	sadd.s32 s21, s3  }
0x9d: {  	[timem:s7], [sflag:s22] =	dma.local [hbm:s5], s20  }
0x9e: {  	_ =	swait.ge [sflag:s22], s20  }
0x9f: {  	s4 =	ssub.s32 $0x0, s20;
	[sflag:s22] =	ssyncset.done $0x0  }
0xa0: {  	[sflag:s22] =	ssyncadd.s32 s4;
	_ =	sdelay $0x1  }
0xa1: {  	s23 =	simm.s32 $0x1B8B  }
0xa2: {  	_ =	swait.ge [sflag:s23], $0x1  }
0xa3: {  	[sflag:s23] =	ssyncset.done $0x0  }
0xa4: {  	s25 =	simm.s32 $0x1B8E;
	s24 =	sld [smem:$0x3FFE];
	[sflag:s23] =	ssyncadd.s32 $0xFFFFFFFF  }
0xa5: {  	s26 =	simm.s32 $execute0_lowered;
	[smem:$0x3FD2] =	sst s25  }
0xa6: {  	s5 =	sshll.u32 s26, $0x1;
	_ =	strace $0x80000049;
	[dreg:$0x1] =	wrdreg $0xFFFFFFFF  }
0xa7: {  	s28 =	simm.s32 $_size_execute0_lowered;
	s3 =	sadd.s32 s3, s5;
	[dreg:$0x0] =	wrdreg $0x0  }
0xa8: {  	s5 =	sshll.u32 s28, $0x1;
	[dreg:$0x2] =	wrdreg s3  }
0xa9: {  	[dreg:$0x3] =	wrdreg s5  }
0xaa: {  	[dreg:$0x4] =	wrdreg $0xC0  }
0xab: {  	_ =	task [dreg:s7], $0x5FFFF  }
0xac: {  	[dreg:$0x1] =	wrdreg $0xFFFFFFFF  }
0xad: {  	[dreg:$0x0] =	wrdreg $0x60  }
0xae: {  	[dreg:$0x2] =	wrdreg s2  }
0xaf: {  	[dreg:$0x3] =	wrdreg s24  }
0xb0: {  	[dreg:$0x4] =	wrdreg $0xA8000  }
0xb1: {  	[dreg:$0x5] =	wrdreg $0x9  }
0xb2: {  	_ =	task.clear_ibuf [dreg:s7], $0x6FFFF;
	_ =	strace $0x90000049  }
0xb3: {  	s29 =	simm.s32 $0x9;
	_ =	strace $0x8000004B  }
0xb4: {  	_ =	swait.ge [sflag:s29], $0x1  }
0xb5: {  	[sflag:s29] =	ssyncadd.s32 $0xFFFFFFFF  }
0xb6: {  	_ =	strace $0x9000004B  }
0xb7: {  	_ =	sfence  }
0xb8: {  	s30 =	sld [smem:$0x0];
	_ =	sdelay $0x2  }
0xb9: {  	s31 =	sshll.u32 s1, $0xD;
	s1 =	sshrl.u32 s1, $0x2  }
0xba: {  	s3 =	sand.u32 $0x4000, s31;
	s1 =	sadd.s32 s1, s30  }
0xbb: {  	s0 =	sor.u32 s3, s0;
	s1 =	sshll.u32 s1, $0x11  }
0xbc: {  	s0 =	sor.u32 s1, s0  }
0xbd: {  	s0 =	sadd.s32 $0x8F2B, s0  }
0xbe: {  	[sflag:s0] =	ssyncadd.remote.s32 $0x1  }
0xbf: {  	_ =	sfence.sel $0xFFFF  }
0xc0: {  	[dreg:$0x0] =	wrdreg $0xFFFFFFFF;
	(pc) =	sbr.abs _section_cstart, $3  }
0xc1: {  	[dreg:$0x1] =	wrdreg $0xFFFFFFFF  }
0xc2: {  	_ =	task.clear_ibuf [dreg:s7], $0x2FFFF;
	_ =	strace $0x9FFFFFFF  }
0xc3: {  	(tm) =	ssettm $0x7FFFFFFF  }
tec
execute0_lowered:
.L_overlay_start_1:
0x0: {  	(tag) =	ssettag $0x1  }
0x1: {  	s1 =	rddreg [dreg:$0x0]  }
0x2: {  	s6 =	rddreg [dreg:$0x1]  }
0x3: {  	s2 =	rddreg [dreg:$0x2];
	s4 =	srdreg.scid  }
0x4: {  	s0 =	rddreg [dreg:$0x3];
	s3 =	simm.s32 $0x0;
	s14 =	simm.s32 $0x2800  }
0x5: {  	s15 =	simm.s32 $0x6800;
	s16 =	simm.s32 $0x1;
	s7 =	sand.u32 $0x1, s4  }
0x6: {  	s17 =	simm.s32 $0x2;
	s18 =	simm.s32 $0x1380;
	s5 =	smul.u32 $0x5000, s7  }
0x7: {  	s19 =	simm.s32 $0x2700;
	s4 =	stileid.u32;
	s8 =	smul.u32 $0x27800, s7  }
0x8: {  	s20 =	simm.s32 $0x2780;
	[smem:$0x7FF] =	sst s3;
	s9 =	smul.u32 $0x4F000, s4  }
0x9: {  	_ =	strace $0x8000004A;
	s7 =	ssub.s32 $0x2, s7;
	s12 =	smul.u32 $0x500, s4  }
0xa: {  	s31 =	sshll.u32 s4, $0x6;
	s24 =	smul.u32 $0x2780, s4;
	s30 =	sshrl.u32 s7, $0x1  }
0xb: {  	s10 =	sadd.s32 s5, s6;
	s5 =	sadd.s32 $0x16000, s6;
	s8 =	sadd.s32 s8, s6  }
0xc: {  	s9 =	sshrl.u32 s9, $0x2;
	s7 =	ssub.s32 s7, s30;
	s6 =	sor.u32 $0x1C03, s31  }
0xd: {  	s9 =	sadd.s32 s9, s2;
	s11 =	sadd.s32 $0x2000, s10;
	s13 =	sadd.s32 $0xC000, s10  }
0xe: {  	s23 =	sadd.s32 $0x18800, s8;
	s7 =	smax.u32 s7, $0x1;
	s8 =	sshrl.u32 s9, $0x3  }
0xf: {  	s9 =	simm.s32 $0x3;
	s10 =	sadd.s32 s12, s11;
	s11 =	sadd.s32 s12, s13  }
0x10: {  	s12 =	simm.s32 $0x1400;
	s13 =	simm.s32 $0x80;
	s23 =	sadd.s32 s24, s23  }
0x11: {  	s24 =	simm.s32 $0x0;
	s21 =	sadd.s32 $0x280, s10;
	s22 =	sadd.s32 $0x280, s11  }
.LBB2_1:
0x12: {  	[spmem:s8], [sflag:s6] =	dma.local [hbm:s5], $0x2780  }
0x13: {  	_ =	swait.ge [sflag:s9], $0x2780  }
0x14: {  	[sflag:s9] =	ssyncset.done $0x0  }
0x15: {  	[sflag:s9] =	ssyncadd.s32 $0xFFFFD880  }
0x16: {  	[tilespmem:s3], [sflag:$0x3] =	stream.linear.gather [hbm4b:s10+s3], $0x1400, $0x38;
	[tilespmem:$0x1E400] =	vst v63  }
0x17: {  	_ =	swait.ge [sflag:s9], $0x1400  }
0x18: {  	[sflag:s9] =	ssyncset.done $0x0  }
0x19: {  	[sflag:s9] =	ssyncadd.s32 $0xFFFFEC00  }
0x1a: {  	[tilespmem:s12], [sflag:$0x3] =	stream.linear.gather [hbm4b:s11+s3], $0x1400, $0x38;
	[tilespmem:$0x1E400] =	vst v63  }
0x1b: {  	_ =	swait.ge [sflag:s9], $0x1400  }
0x1c: {  	[sflag:s9] =	ssyncset.done $0x0  }
0x1d: {  	[sflag:s9] =	ssyncadd.s32 $0xFFFFEC00  }
0x1e: {  	[bflag:$0x0] =	sbarrier.arrive $0xFFFF  }
0x1f: {  	[tilespmem:s14], [sflag:$0x1] =	stream.indirect.gather [hbm4b:s1+s13], $0x80, s3, s13, $0xb8;
	[tilespmem:$0x1E400] =	vst v63  }
0x20: {  	s25 =	simm.s32 $0x80  }
0x21: {  	[tilespmem:s15], [sflag:$0x2] =	stream.indirect.gather [hbm4b:s1+s13], $0x80, s25, s13, $0xb8;
	[tilespmem:$0x1E400] =	vst v63  }
0x22: {  	_ =	swait.ge [sflag:s16], $0x4000  }
0x23: {  	[sflag:s16] =	ssyncset.done $0x0  }
0x24: {  	s29 =	simm.s32 $0x1400;
	[sflag:s16] =	ssyncadd.s32 $0xFFFFC000  }
0x25: {  	[spmem:s2] =	stream.indirect.scatter.add.f32 [tilespmem:s14], [sflag:$0x3], $0x80, s29, s13, $0xb8;
	[tilespmem:$0x1E400] =	vst v63  }
0x26: {  	_ =	swait.ge [sflag:s9], $0x4000  }
0x27: {  	[sflag:s9] =	ssyncset.done $0x0  }
0x28: {  	s30 =	simm.s32 $0x100;
	[sflag:s9] =	ssyncadd.s32 $0xFFFFC000  }
0x29: {  	[tilespmem:s14], [sflag:$0x1] =	stream.indirect.gather [hbm4b:s1+s13], $0x80, s30, s13, $0xb8;
	[tilespmem:$0x1E400] =	vst v63  }
0x2a: {  	_ =	swait.ge [sflag:s17], $0x4000  }
0x2b: {  	[sflag:s17] =	ssyncset.done $0x0  }
0x2c: {  	s31 =	simm.s32 $0x1480;
	[sflag:s17] =	ssyncadd.s32 $0xFFFFC000  }
0x2d: {  	[spmem:s2] =	stream.indirect.scatter.add.f32 [tilespmem:s15], [sflag:$0x3], $0x80, s31, s13, $0xb8;
	[tilespmem:$0x1E400] =	vst v63  }
0x2e: {  	_ =	swait.ge [sflag:s9], $0x4000  }
0x2f: {  	s26 =	simm.s32 $0x800;
	s25 =	simm.s32 $0x100;
	[sflag:s9] =	ssyncset.done $0x0  }
.LBB2_2:
0x30: {  	s28 =	sadd.s32 $0x80, s25  }
0x31: {  	[sflag:s9] =	ssyncadd.s32 $0xFFFFC000;
	s29 =	smov.u32 s26;
	s30 =	sadd.s32 $0x400, s26  }
0x32: {  	[tilespmem:s15], [sflag:$0x2] =	stream.indirect.gather [hbm4b:s1+s13], $0x80, s28, s13, $0xb8;
	[tilespmem:$0x1E400] =	vst v63  }
0x33: {  	p0 =	sne.s32 s26, $0x4800;
	_ =	swait.ge [sflag:s16], $0x4000  }
0x34: {  	[sflag:s16] =	ssyncset.done $0x0  }
0x35: {  	s26 =	sadd.s32 $0x1400, s25;
	[sflag:s16] =	ssyncadd.s32 $0xFFFFC000  }
0x36: {  	[spmem:s2] =	stream.indirect.scatter.add.f32 [tilespmem:s14], [sflag:$0x3], $0x80, s26, s13, $0xb8;
	[tilespmem:$0x1E400] =	vst v63  }
0x37: {  	_ =	swait.ge [sflag:s9], $0x4000  }
0x38: {  	[sflag:s9] =	ssyncset.done $0x0  }
0x39: {  	s26 =	sadd.s32 $0x100, s25;
	[sflag:s9] =	ssyncadd.s32 $0xFFFFC000  }
0x3a: {  	[tilespmem:s14], [sflag:$0x1] =	stream.indirect.gather [hbm4b:s1+s13], $0x80, s26, s13, $0xb8;
	[tilespmem:$0x1E400] =	vst v63  }
0x3b: {  	_ =	swait.ge [sflag:s17], $0x4000  }
.Ltmp0:
0x3c: {  	[sflag:s17] =	ssyncset.done $0x0;
	(pc) =	sbr.rel @p0 .LBB2_2-.Ltmp0, $4  }
0x3d: {  	s25 =	sadd.s32 $0x1480, s25;
	[sflag:s17] =	ssyncadd.s32 $0xFFFFC000  }
0x3e: {  	[spmem:s2] =	stream.indirect.scatter.add.f32 [tilespmem:s15], [sflag:$0x3], $0x80, s25, s13, $0xb8;
	[tilespmem:$0x1E400] =	vst v63  }
0x3f: {  	_ =	swait.ge [sflag:s9], $0x4000  }
0x40: {  	s26 =	smov.u32 s30;
	s25 =	sshra.s32 s29, $0x2;
	[sflag:s9] =	ssyncset.done $0x0  }
0x41: {  	s26 =	sadd.s32 $0x80, s25;
	[sflag:s9] =	ssyncadd.s32 $0xFFFFC000  }
0x42: {  	[tilespmem:s15], [sflag:$0x2] =	stream.indirect.gather [hbm4b:s1+s13], $0x80, s26, s13, $0xb8;
	[tilespmem:$0x1E400] =	vst v63  }
0x43: {  	_ =	swait.ge [sflag:s16], $0x4000  }
0x44: {  	[sflag:s16] =	ssyncset.done $0x0  }
0x45: {  	s29 =	sadd.s32 $0x1400, s25;
	[sflag:s16] =	ssyncadd.s32 $0xFFFFC000  }
0x46: {  	[spmem:s2] =	stream.indirect.scatter.add.f32 [tilespmem:s14], [sflag:$0x3], $0x80, s29, s13, $0xb8;
	[tilespmem:$0x1E400] =	vst v63  }
0x47: {  	_ =	swait.ge [sflag:s9], $0x4000  }
0x48: {  	[sflag:s9] =	ssyncset.done $0x0  }
0x49: {  	s30 =	sadd.s32 $0x100, s25;
	[sflag:s9] =	ssyncadd.s32 $0xFFFFC000  }
0x4a: {  	[tilespmem:s14], [sflag:$0x1] =	stream.indirect.gather [hbm4b:s1+s13], $0x80, s30, s13, $0xb8;
	[tilespmem:$0x1E400] =	vst v63  }
0x4b: {  	_ =	swait.ge [sflag:s17], $0x4000  }
0x4c: {  	[sflag:s17] =	ssyncset.done $0x0  }
0x4d: {  	s31 =	sadd.s32 $0x1480, s25;
	[sflag:s17] =	ssyncadd.s32 $0xFFFFC000  }
0x4e: {  	[spmem:s2] =	stream.indirect.scatter.add.f32 [tilespmem:s15], [sflag:$0x3], $0x80, s31, s13, $0xb8;
	[tilespmem:$0x1E400] =	vst v63  }
0x4f: {  	_ =	swait.ge [sflag:s9], $0x4000  }
0x50: {  	[sflag:s9] =	ssyncset.done $0x0  }
0x51: {  	[sflag:s9] =	ssyncadd.s32 $0xFFFFC000  }
0x52: {  	[tilespmem:s15], [sflag:$0x2] =	stream.indirect.gather [hbm4b:s1+s13], $0x80, s18, s13, $0xb8;
	[tilespmem:$0x1E400] =	vst v63  }
0x53: {  	_ =	swait.ge [sflag:s16], $0x4000  }
0x54: {  	[sflag:s16] =	ssyncset.done $0x0  }
0x55: {  	[sflag:s16] =	ssyncadd.s32 $0xFFFFC000  }
0x56: {  	[spmem:s2] =	stream.indirect.scatter.add.f32 [tilespmem:s14], [sflag:$0x3], $0x80, s19, s13, $0xb8;
	[tilespmem:$0x1E400] =	vst v63  }
0x57: {  	_ =	swait.ge [sflag:s9], $0x4000  }
0x58: {  	[sflag:s9] =	ssyncset.done $0x0  }
0x59: {  	[sflag:s9] =	ssyncadd.s32 $0xFFFFC000  }
0x5a: {  	_ =	swait.ge [sflag:s17], $0x4000  }
0x5b: {  	[sflag:s17] =	ssyncset.done $0x0  }
0x5c: {  	[sflag:s17] =	ssyncadd.s32 $0xFFFFC000  }
0x5d: {  	[spmem:s2] =	stream.indirect.scatter.add.f32 [tilespmem:s15], [sflag:$0x3], $0x80, s20, s13, $0xb8;
	[tilespmem:$0x1E400] =	vst v63  }
0x5e: {  	_ =	swait.ge [sflag:s9], $0x4000  }
0x5f: {  	[sflag:s9] =	ssyncset.done $0x0  }
0x60: {  	s26 =	simm.s32 $0x0;
	[sflag:s9] =	ssyncadd.s32 $0xFFFFC000  }
0x61: {  	[tilespmem:s26], [sflag:$0x3] =	stream.linear.gather [hbm4b:s21+s26], $0x1400, $0x38;
	[tilespmem:$0x1E400] =	vst v63  }
0x62: {  	_ =	swait.ge [sflag:s9], $0x1400  }
0x63: {  	[sflag:s9] =	ssyncset.done $0x0  }
0x64: {  	[sflag:s9] =	ssyncadd.s32 $0xFFFFEC00  }
0x65: {  	[tilespmem:s12], [sflag:$0x3] =	stream.linear.gather [hbm4b:s22+s26], $0x1400, $0x38;
	[tilespmem:$0x1E400] =	vst v63  }
0x66: {  	_ =	swait.ge [sflag:s9], $0x1400  }
0x67: {  	[sflag:s9] =	ssyncset.done $0x0  }
0x68: {  	[sflag:s9] =	ssyncadd.s32 $0xFFFFEC00  }
0x69: {  	[tilespmem:s14], [sflag:$0x1] =	stream.indirect.gather [hbm4b:s1+s13], $0x80, s26, s13, $0xb8;
	[tilespmem:$0x1E400] =	vst v63  }
0x6a: {  	s28 =	simm.s32 $0x80  }
0x6b: {  	[tilespmem:s15], [sflag:$0x2] =	stream.indirect.gather [hbm4b:s1+s13], $0x80, s28, s13, $0xb8;
	[tilespmem:$0x1E400] =	vst v63  }
0x6c: {  	_ =	swait.ge [sflag:s16], $0x4000  }
0x6d: {  	[sflag:s16] =	ssyncset.done $0x0  }
0x6e: {  	s29 =	simm.s32 $0x1400;
	[sflag:s16] =	ssyncadd.s32 $0xFFFFC000  }
0x6f: {  	[spmem:s2] =	stream.indirect.scatter.add.f32 [tilespmem:s14], [sflag:$0x3], $0x80, s29, s13, $0xb8;
	[tilespmem:$0x1E400] =	vst v63  }
0x70: {  	_ =	swait.ge [sflag:s9], $0x4000  }
0x71: {  	[sflag:s9] =	ssyncset.done $0x0  }
0x72: {  	s30 =	simm.s32 $0x100;
	[sflag:s9] =	ssyncadd.s32 $0xFFFFC000  }
0x73: {  	[tilespmem:s14], [sflag:$0x1] =	stream.indirect.gather [hbm4b:s1+s13], $0x80, s30, s13, $0xb8;
	[tilespmem:$0x1E400] =	vst v63  }
0x74: {  	_ =	swait.ge [sflag:s17], $0x4000  }
0x75: {  	[sflag:s17] =	ssyncset.done $0x0  }
0x76: {  	s31 =	simm.s32 $0x1480;
	[sflag:s17] =	ssyncadd.s32 $0xFFFFC000  }
0x77: {  	[spmem:s2] =	stream.indirect.scatter.add.f32 [tilespmem:s15], [sflag:$0x3], $0x80, s31, s13, $0xb8;
	[tilespmem:$0x1E400] =	vst v63  }
0x78: {  	_ =	swait.ge [sflag:s9], $0x4000  }
0x79: {  	s25 =	simm.s32 $0x100;
	s26 =	simm.s32 $0x800;
	[sflag:s9] =	ssyncset.done $0x0  }
.LBB2_4:
0x7a: {  	s28 =	sadd.s32 $0x80, s25  }
0x7b: {  	[sflag:s9] =	ssyncadd.s32 $0xFFFFC000;
	s29 =	smov.u32 s26;
	s30 =	sadd.s32 $0x400, s26  }
0x7c: {  	[tilespmem:s15], [sflag:$0x2] =	stream.indirect.gather [hbm4b:s1+s13], $0x80, s28, s13, $0xb8;
	[tilespmem:$0x1E400] =	vst v63  }
0x7d: {  	p0 =	sne.s32 s26, $0x4800;
	_ =	swait.ge [sflag:s16], $0x4000  }
0x7e: {  	[sflag:s16] =	ssyncset.done $0x0  }
0x7f: {  	s26 =	sadd.s32 $0x1400, s25;
	[sflag:s16] =	ssyncadd.s32 $0xFFFFC000  }
0x80: {  	[spmem:s2] =	stream.indirect.scatter.add.f32 [tilespmem:s14], [sflag:$0x3], $0x80, s26, s13, $0xb8;
	[tilespmem:$0x1E400] =	vst v63  }
0x81: {  	_ =	swait.ge [sflag:s9], $0x4000  }
0x82: {  	[sflag:s9] =	ssyncset.done $0x0  }
0x83: {  	s26 =	sadd.s32 $0x100, s25;
	[sflag:s9] =	ssyncadd.s32 $0xFFFFC000  }
0x84: {  	[tilespmem:s14], [sflag:$0x1] =	stream.indirect.gather [hbm4b:s1+s13], $0x80, s26, s13, $0xb8;
	[tilespmem:$0x1E400] =	vst v63  }
0x85: {  	_ =	swait.ge [sflag:s17], $0x4000  }
.Ltmp1:
0x86: {  	[sflag:s17] =	ssyncset.done $0x0;
	(pc) =	sbr.rel @p0 .LBB2_4-.Ltmp1, $4  }
0x87: {  	s25 =	sadd.s32 $0x1480, s25;
	[sflag:s17] =	ssyncadd.s32 $0xFFFFC000  }
0x88: {  	[spmem:s2] =	stream.indirect.scatter.add.f32 [tilespmem:s15], [sflag:$0x3], $0x80, s25, s13, $0xb8;
	[tilespmem:$0x1E400] =	vst v63  }
0x89: {  	_ =	swait.ge [sflag:s9], $0x4000  }
0x8a: {  	s26 =	smov.u32 s30;
	s25 =	sshra.s32 s29, $0x2;
	[sflag:s9] =	ssyncset.done $0x0  }
0x8b: {  	s26 =	sadd.s32 $0x80, s25;
	[sflag:s9] =	ssyncadd.s32 $0xFFFFC000  }
0x8c: {  	[tilespmem:s15], [sflag:$0x2] =	stream.indirect.gather [hbm4b:s1+s13], $0x80, s26, s13, $0xb8;
	[tilespmem:$0x1E400] =	vst v63  }
0x8d: {  	_ =	swait.ge [sflag:s16], $0x4000  }
0x8e: {  	[sflag:s16] =	ssyncset.done $0x0  }
0x8f: {  	s29 =	sadd.s32 $0x1400, s25;
	[sflag:s16] =	ssyncadd.s32 $0xFFFFC000  }
0x90: {  	[spmem:s2] =	stream.indirect.scatter.add.f32 [tilespmem:s14], [sflag:$0x3], $0x80, s29, s13, $0xb8;
	[tilespmem:$0x1E400] =	vst v63  }
0x91: {  	_ =	swait.ge [sflag:s9], $0x4000  }
0x92: {  	[sflag:s9] =	ssyncset.done $0x0  }
0x93: {  	s30 =	sadd.s32 $0x100, s25;
	[sflag:s9] =	ssyncadd.s32 $0xFFFFC000  }
0x94: {  	[tilespmem:s14], [sflag:$0x1] =	stream.indirect.gather [hbm4b:s1+s13], $0x80, s30, s13, $0xb8;
	[tilespmem:$0x1E400] =	vst v63  }
0x95: {  	_ =	swait.ge [sflag:s17], $0x4000  }
0x96: {  	[sflag:s17] =	ssyncset.done $0x0  }
0x97: {  	s31 =	sadd.s32 $0x1480, s25;
	[sflag:s17] =	ssyncadd.s32 $0xFFFFC000  }
0x98: {  	[spmem:s2] =	stream.indirect.scatter.add.f32 [tilespmem:s15], [sflag:$0x3], $0x80, s31, s13, $0xb8;
	[tilespmem:$0x1E400] =	vst v63  }
0x99: {  	_ =	swait.ge [sflag:s9], $0x4000  }
0x9a: {  	[sflag:s9] =	ssyncset.done $0x0  }
0x9b: {  	[sflag:s9] =	ssyncadd.s32 $0xFFFFC000  }
0x9c: {  	[tilespmem:s15], [sflag:$0x2] =	stream.indirect.gather [hbm4b:s1+s13], $0x80, s18, s13, $0xb8;
	[tilespmem:$0x1E400] =	vst v63  }
0x9d: {  	_ =	swait.ge [sflag:s16], $0x4000  }
0x9e: {  	[sflag:s16] =	ssyncset.done $0x0  }
0x9f: {  	[sflag:s16] =	ssyncadd.s32 $0xFFFFC000  }
0xa0: {  	[spmem:s2] =	stream.indirect.scatter.add.f32 [tilespmem:s14], [sflag:$0x3], $0x80, s19, s13, $0xb8;
	[tilespmem:$0x1E400] =	vst v63  }
0xa1: {  	_ =	swait.ge [sflag:s9], $0x4000  }
0xa2: {  	[sflag:s9] =	ssyncset.done $0x0  }
0xa3: {  	[sflag:s9] =	ssyncadd.s32 $0xFFFFC000  }
0xa4: {  	_ =	swait.ge [sflag:s17], $0x4000  }
0xa5: {  	[sflag:s17] =	ssyncset.done $0x0  }
0xa6: {  	[sflag:s17] =	ssyncadd.s32 $0xFFFFC000  }
0xa7: {  	[spmem:s2] =	stream.indirect.scatter.add.f32 [tilespmem:s15], [sflag:$0x3], $0x80, s20, s13, $0xb8;
	[tilespmem:$0x1E400] =	vst v63  }
0xa8: {  	_ =	swait.ge [sflag:s9], $0x4000  }
0xa9: {  	s24 =	sadd.s32 $0x1, s24;
	[sflag:s9] =	ssyncset.done $0x0  }
0xaa: {  	p0 =	sne.s32 s24, s7;
	[sflag:s9] =	ssyncadd.s32 $0xFFFFC000  }
.Ltmp2:
0xab: {  	[bflag:$0x0] =	sbarrier.arrive $0xFFFF;
	(pc) =	sbr.rel @p0 .LBB2_1-.Ltmp2, $4  }
0xac: {  	[hbm:s23], [sflag:s6] =	dma.local [spmem:s8], $0x2780  }
0xad: {  	_ =	swait.ge [sflag:s9], $0x2780  }
0xae: {  	[sflag:s9] =	ssyncset.done $0x0  }
0xaf: {  	[sflag:s9] =	ssyncadd.s32 $0xFFFFD880  }
0xb0: {  	_ =	sfence.sel $0x180000  }
0xb1: {  	[bflag:$0x0] =	sbarrier.arrive $0xFFFF  }
0xb2: {  	p0 =	sne.s32 s4, $0x0;
	_ =	strace $0x9000004A  }
0xb3: {  	s0 =	sadd.s32 @!p0 $0x100000, s0;
	[bflag:$0x2] =	sbarrier.arrive $0xFFFF  }
0xb4: {  	[sflag:s0] =	ssyncadd.tile.s32 @!p0 $0x1;
	_ =	shalt  }
.Lfunc_end2:
_tile_overlayer_lowered:
.L_overlay_start_2:
0xb5: {  	(tag) =	ssettag $0x2  }
0xb6: {  	s0 =	rddreg [dreg:$0x0];
	s2 =	stileid.u32  }
0xb7: {  	s1 =	rddreg [dreg:$0x1];
	p0 =	sne.s32 s2, $0x0  }
0xb8: {  	s3 =	rddreg [dreg:$0x2];
	[bflag:$0x3] =	sbarrier.arrive $0xFFFF;
	s2 =	simm.s32 @!p0 $0x1C03  }
0xb9: {  	[timem:s3], [sflag:s2] =	dma.local @!p0 [hbm:s0], s1  }
0xba: {  	s0 =	simm.s32 @!p0 $0x3  }
0xbb: {  	_ =	swait.ge @!p0 [sflag:s0], s1  }
0xbc: {  	s1 =	ssub.s32 @!p0 $0x0, s1;
	[sflag:s0] =	ssyncset.done @!p0 $0x0  }
0xbd: {  	[sflag:s0] =	ssyncadd.s32 @!p0 s1  }
0xbe: {  	[bflag:$0x3] =	sbarrier.arrive $0xFFFF  }
0xbf: {  	_ =	shalt  }

// kernel: kernel.14.cloned.1.call-start
scs
__scs_entry_jumppad:
0x0: {  	(pc) =	sbr.rel $0x88, $3  }
0x1: {  	(tag) =	ssettag $0x0;
	lr =	simm.s32 $0x1  }
0x2: {  	[smem:$0x3F9B] =	sst lr;
	_ =	strace $0xD0000000  }
0x3: {  	_ = 	snop  }
0x4: {  	_ = 	snop  }
0x5: {  	_ = 	snop  }
0x6: {  	_ = 	snop  }
0x7: {  	_ = 	snop  }
__scs_overlays_trampoline_lowered:
0x8: {  	[smem:$0x3FAA] =	sst s0  }
0x9: {  	[smem:$0x3FAB] =	sst s1  }
0xa: {  	[smem:$0x3FAC] =	sst s2  }
0xb: {  	[smem:$0x3FAD] =	sst s3  }
0xc: {  	[smem:$0x3FAE] =	sst s4  }
0xd: {  	[smem:$0x3FAF] =	sst s5  }
0xe: {  	[smem:$0x3FB0] =	sst s6  }
0xf: {  	[smem:$0x3FB1] =	sst s7  }
0x10: {  	[smem:$0x3FB2] =	sst s8  }
0x11: {  	[smem:$0x3FB3] =	sst s9;
	s0 =	simm.s32 @!p0 $0x0  }
0x12: {  	s1 =	sld [smem:$0x3F99];
	s0 =	simm.s32 @p0 $0x1  }
0x13: {  	[smem:$0x3FB4] =	sst s0;
	s0 =	simm.s32 @!p1 $0x0  }
0x14: {  	s2 =	sld [smem:$0x3F98];
	s0 =	simm.s32 @p1 $0x1  }
0x15: {  	[smem:$0x3FB5] =	sst s0;
	s0 =	simm.s32 @!p2 $0x0  }
0x16: {  	s3 =	sld [smem:$0x3FDB];
	s0 =	simm.s32 @p2 $0x1  }
0x17: {  	s4 =	simm.s32 $0x1BF5;
	[smem:$0x3FB7] =	sst s0  }
0x18: {  	s0 =	sld [smem:$0x3F9A];
	_ =	swait.ge [sflag:s4], $0x0  }
0x19: {  	s7 =	sld [smem:$0x3F9B]  }
0x1a: {  	s8 =	sadd.s32 $0xFFFFE003, lr  }
0x1b: {  	s9 =	sadd.s32 $0xFFFFFEF7, lr;
	s5 =	simm.s32 $0xFFFFFFFF;
	p2 =	slt.u32 s8, $0xFFFFF086  }
0x1c: {  	p1 =	slt.u32 s9, $0xF7A;
	s5 =	simm.s32 @!p2 $0x0  }
0x1d: {  	s5 =	simm.s32 @p1 $0x1;
	p0 =	seq.s32 s7, s2  }
0x1e: {  	s7 =	smul.u32 @!p0 $0xF7A, s2;
	p2 =	seq.s32 @!p0 s5, $0x0  }
0x1f: {  	s9 =	smul.u32 $0xF7A, s1;
	s8 =	simm.s32 @!p0 $0x1BF5;
	p2 =	por !p2, p0  }
0x20: {  	[sflag:s8] =	ssyncset.s32 @!p0 $0xFFFFF086;
	s6 =	sadd.s32 @!p0 s3, s7;
	s7 =	simm.s32 @!p0 $0x108  }
0x21: {  	s3 =	sadd.s32 s3, s9;
	s6 =	sadd.s32 @!p0 $0x88, s6;
	s7 =	simm.s32 @p2 $0x1082  }
0x22: {  	[simem:s7], [sflag:s8] =	dma.local @!p0 [hbm:s6], $0xF7A  }
0x23: {  	s9 =	sor.u32 $0xD0000000, s2;
	s6 =	simm.s32 $0x108;
	_ =	swait.ge @!p0 [sflag:s8], $0x0  }
0x24: {  	s3 =	sadd.s32 $0x88, s3;
	s6 =	simm.s32 @!p1 $0x1082;
	[sflag:s4] =	ssyncset.s32 $0xFFFFF086  }
0x25: {  	[simem:s6], [sflag:s4] =	dma.local [hbm:s3], $0xF7A  }
0x26: {  	[smem:$0x3F9B] =	sst s1;
	(tag) =	ssettag s2;
	_ =	strace s9  }
0x27: {  	s1 =	sld [smem:$0x3FAB]  }
0x28: {  	s2 =	sld [smem:$0x3FAC]  }
0x29: {  	s4 =	sld [smem:$0x3FAE]  }
0x2a: {  	p0 =	seq.s32 s5, $0x0;
	s5 =	sld [smem:$0x3FAF]  }
0x2b: {  	s6 =	sld [smem:$0x3FB0]  }
0x2c: {  	s7 =	sld [smem:$0x3FB1]  }
0x2d: {  	s3 =	simm.s32 $0x108;
	s8 =	sld [smem:$0x3FB2]  }
0x2e: {  	s3 =	simm.s32 @!p0 $0x1082;
	s9 =	sld [smem:$0x3FB3]  }
0x2f: {  	lr =	sadd.s32 s0, s3;
	s0 =	sld [smem:$0x3FAA]  }
0x30: {  	s3 =	sld [smem:$0x3FAD]  }
0x31: {  	[smem:$0x3FB6] =	sst s10  }
0x32: {  	s10 =	sld [smem:$0x3FB4];
	_ =	sdelay $0x3  }
0x33: {  	p0 =	seq.s32 s10, $0x1;
	s10 =	sld [smem:$0x3FB6];
	_ =	sdelay $0x3  }
0x34: {  	[smem:$0x3FB6] =	sst s10  }
0x35: {  	s10 =	sld [smem:$0x3FB5];
	_ =	sdelay $0x3  }
0x36: {  	p1 =	seq.s32 s10, $0x1;
	s10 =	sld [smem:$0x3FB6];
	_ =	sdelay $0x3  }
0x37: {  	[smem:$0x3FB6] =	sst s10  }
0x38: {  	s10 =	sld [smem:$0x3FB7]  }
0x39: {  	_ = 	snop;
	(pc) =	sbr.ind lr, $3  }
0x3a: {  	_ = 	snop  }
0x3b: {  	_ = 	snop  }
0x3c: {  	p2 =	seq.s32 s10, $0x1;
	s10 =	sld [smem:$0x3FB6]  }
0x3d: {  	_ =	shalt  }
0x3e: {  	_ =	shalt  }
0x3f: {  	_ =	shalt  }
0x40: {  	_ =	shalt  }
0x41: {  	_ =	shalt  }
0x42: {  	_ =	shalt  }
0x43: {  	_ =	shalt  }
0x44: {  	_ =	shalt  }
0x45: {  	_ =	shalt  }
0x46: {  	_ =	shalt  }
0x47: {  	_ =	shalt  }
0x48: {  	_ =	shalt  }
0x49: {  	_ =	shalt  }
0x4a: {  	_ =	shalt  }
0x4b: {  	_ =	shalt  }
0x4c: {  	_ =	shalt  }
0x4d: {  	_ =	shalt  }
0x4e: {  	_ =	shalt  }
0x4f: {  	_ =	shalt  }
0x50: {  	_ =	shalt  }
0x51: {  	_ =	shalt  }
0x52: {  	_ =	shalt  }
0x53: {  	_ =	shalt  }
0x54: {  	_ =	shalt  }
0x55: {  	_ =	shalt  }
0x56: {  	_ =	shalt  }
0x57: {  	_ =	shalt  }
0x58: {  	_ =	shalt  }
0x59: {  	_ =	shalt  }
0x5a: {  	_ =	shalt  }
0x5b: {  	_ =	shalt  }
0x5c: {  	_ =	shalt  }
0x5d: {  	_ =	shalt  }
0x5e: {  	_ =	shalt  }
0x5f: {  	_ =	shalt  }
0x60: {  	_ =	shalt  }
0x61: {  	_ =	shalt  }
0x62: {  	_ =	shalt  }
0x63: {  	_ =	shalt  }
0x64: {  	_ =	shalt  }
0x65: {  	_ =	shalt  }
0x66: {  	_ =	shalt  }
0x67: {  	_ =	shalt  }
0x68: {  	_ =	shalt  }
0x69: {  	_ =	shalt  }
0x6a: {  	_ =	shalt  }
0x6b: {  	_ =	shalt  }
0x6c: {  	_ =	shalt  }
0x6d: {  	_ =	shalt  }
0x6e: {  	_ =	shalt  }
0x6f: {  	_ =	shalt  }
0x70: {  	_ =	shalt  }
0x71: {  	_ =	shalt  }
0x72: {  	_ =	shalt  }
0x73: {  	_ =	shalt  }
0x74: {  	_ =	shalt  }
0x75: {  	_ =	shalt  }
0x76: {  	_ =	shalt  }
0x77: {  	_ =	shalt  }
0x78: {  	_ =	shalt  }
0x79: {  	_ =	shalt  }
0x7a: {  	_ =	shalt  }
0x7b: {  	_ =	shalt  }
0x7c: {  	_ =	shalt  }
0x7d: {  	_ =	shalt  }
0x7e: {  	_ =	shalt  }
0x7f: {  	_ =	shalt  }
0x80: {  	_ =	shalt  }
0x81: {  	_ =	shalt  }
0x82: {  	_ =	shalt  }
0x83: {  	_ =	shalt  }
0x84: {  	_ =	shalt  }
0x85: {  	_ =	shalt  }
0x86: {  	_ =	shalt  }
0x87: {  	_ =	shalt  }
.Lfunc_end0:
.L_simem_size_0:
called_computation.2_lowered:
.L_overlay_start_0:
0x88: {  	s2 =	sld [smem:$0x3FD9]  }
0x89: {  	s3 =	sld [smem:$0x3FFE];
	_ =	sdelay $0x1  }
0x8a: {  	s1 =	srdreg.scid  }
0x8b: {  	s0 =	sand.u32 $0x1, s1  }
0x8c: {  	s17 =	sshll.u32 s0, $0xA;
	s2 =	sadd.s32 s3, s2  }
0x8d: {  	s2 =	sadd.s32 s2, s17  }
0x8e: {  	[smem:$0x3FC2] =	sst s2  }
0x8f: {  	_ = 	snop  }
0x90: {  	s2 =	sld [smem:$0x3FD0];
	(tm) =	ssettm $0x1  }
0x91: {  	s18 =	sld [smem:$0x3FFB];
	_ =	sdelay $0x3  }
0x92: {  	_ =	strace s18  }
0x93: {  	s3 =	sld [smem:$0x3FFC];
	_ =	sdelay $0x3  }
0x94: {  	_ =	strace s3  }
0x95: {  	s3 =	sld [smem:$0x3FFD];
	_ =	sdelay $0x3  }
0x96: {  	_ =	strace s3  }
0x97: {  	_ =	strace $0x8FFFFFFF  }
0x98: {  	s19 =	sld [smem:$0x3FDB];
	_ =	sdelay $0x1  }
0x99: {  	s4 =	simm.s32 $_scs_section_size  }
0x9a: {  	s5 =	simm.s32 $_size__tile_overlayer_lowered;
	s6 =	simm.s32 $_tile_overlayer_lowered  }
0x9b: {  	s22 =	simm.s32 $0x1BFF;
	s21 =	sshll.u32 s6, $0x1;
	s3 =	sadd.s32 s4, s19  }
0x9c: {  	s7 =	simm.s32 $0x0;
	s20 =	sshll.u32 s5, $0x1;
	s5 =	sadd.s32 s21, s3  }
0x9d: {  	[timem:s7], [sflag:s22] =	dma.local [hbm:s5], s20  }
0x9e: {  	_ =	swait.ge [sflag:s22], s20  }
0x9f: {  	s4 =	ssub.s32 $0x0, s20;
	[sflag:s22] =	ssyncset.done $0x0  }
0xa0: {  	[sflag:s22] =	ssyncadd.s32 s4;
	_ =	sdelay $0x1  }
0xa1: {  	s23 =	simm.s32 $0x1B8B  }
0xa2: {  	_ =	swait.ge [sflag:s23], $0x1  }
0xa3: {  	[sflag:s23] =	ssyncset.done $0x0  }
0xa4: {  	s25 =	simm.s32 $0x1B8E;
	s24 =	sld [smem:$0x3FFE];
	[sflag:s23] =	ssyncadd.s32 $0xFFFFFFFF  }
0xa5: {  	s26 =	simm.s32 $execute0_lowered;
	[smem:$0x3FD2] =	sst s25  }
0xa6: {  	s5 =	sshll.u32 s26, $0x1;
	_ =	strace $0x8000004C;
	[dreg:$0x1] =	wrdreg $0xFFFFFFFF  }
0xa7: {  	s28 =	simm.s32 $_size_execute0_lowered;
	s3 =	sadd.s32 s3, s5;
	[dreg:$0x0] =	wrdreg $0x0  }
0xa8: {  	s5 =	sshll.u32 s28, $0x1;
	[dreg:$0x2] =	wrdreg s3  }
0xa9: {  	[dreg:$0x3] =	wrdreg s5  }
0xaa: {  	[dreg:$0x4] =	wrdreg $0xC0  }
0xab: {  	_ =	task [dreg:s7], $0x5FFFF  }
0xac: {  	[dreg:$0x1] =	wrdreg $0xFFFFFFFF  }
0xad: {  	[dreg:$0x0] =	wrdreg $0x60  }
0xae: {  	[dreg:$0x2] =	wrdreg s2  }
0xaf: {  	[dreg:$0x3] =	wrdreg s24  }
0xb0: {  	[dreg:$0x4] =	wrdreg $0xA8000  }
0xb1: {  	[dreg:$0x5] =	wrdreg $0x9  }
0xb2: {  	_ =	task.clear_ibuf [dreg:s7], $0x6FFFF;
	_ =	strace $0x9000004C  }
0xb3: {  	s29 =	simm.s32 $0x9;
	_ =	strace $0x8000004E  }
0xb4: {  	_ =	swait.ge [sflag:s29], $0x1  }
0xb5: {  	[sflag:s29] =	ssyncadd.s32 $0xFFFFFFFF  }
0xb6: {  	_ =	strace $0x9000004E  }
0xb7: {  	_ =	sfence  }
0xb8: {  	s30 =	sld [smem:$0x0];
	_ =	sdelay $0x2  }
0xb9: {  	s31 =	sshll.u32 s1, $0xD;
	s1 =	sshrl.u32 s1, $0x2  }
0xba: {  	s3 =	sand.u32 $0x4000, s31;
	s1 =	sadd.s32 s1, s30  }
0xbb: {  	s0 =	sor.u32 s3, s0;
	s1 =	sshll.u32 s1, $0x11  }
0xbc: {  	s0 =	sor.u32 s1, s0  }
0xbd: {  	s0 =	sadd.s32 $0x8F2B, s0  }
0xbe: {  	[sflag:s0] =	ssyncadd.remote.s32 $0x1  }
0xbf: {  	_ =	sfence.sel $0xFFFF  }
0xc0: {  	[dreg:$0x0] =	wrdreg $0xFFFFFFFF;
	(pc) =	sbr.abs _section_cstart, $3  }
0xc1: {  	[dreg:$0x1] =	wrdreg $0xFFFFFFFF  }
0xc2: {  	_ =	task.clear_ibuf [dreg:s7], $0x2FFFF;
	_ =	strace $0x9FFFFFFF  }
0xc3: {  	(tm) =	ssettm $0x7FFFFFFF  }
tec
execute0_lowered:
.L_overlay_start_1:
0x0: {  	(tag) =	ssettag $0x1  }
0x1: {  	s1 =	rddreg [dreg:$0x0]  }
0x2: {  	s6 =	rddreg [dreg:$0x1]  }
0x3: {  	s2 =	rddreg [dreg:$0x2];
	s4 =	srdreg.scid  }
0x4: {  	s0 =	rddreg [dreg:$0x3];
	s3 =	simm.s32 $0x0;
	s14 =	simm.s32 $0x2800  }
0x5: {  	s15 =	simm.s32 $0x6800;
	s16 =	simm.s32 $0x1;
	s7 =	sand.u32 $0x1, s4  }
0x6: {  	s17 =	simm.s32 $0x2;
	s18 =	simm.s32 $0x1380;
	s5 =	smul.u32 $0x5000, s7  }
0x7: {  	s19 =	simm.s32 $0x2700;
	s4 =	stileid.u32;
	s8 =	smul.u32 $0x27800, s7  }
0x8: {  	s20 =	simm.s32 $0x2780;
	[smem:$0x7FF] =	sst s3;
	s9 =	smul.u32 $0x4F000, s4  }
0x9: {  	_ =	strace $0x8000004D;
	s7 =	ssub.s32 $0x2, s7;
	s12 =	smul.u32 $0x500, s4  }
0xa: {  	s31 =	sshll.u32 s4, $0x6;
	s24 =	smul.u32 $0x2780, s4;
	s30 =	sshrl.u32 s7, $0x1  }
0xb: {  	s10 =	sadd.s32 s5, s6;
	s5 =	sadd.s32 $0x16000, s6;
	s8 =	sadd.s32 s8, s6  }
0xc: {  	s9 =	sshrl.u32 s9, $0x2;
	s7 =	ssub.s32 s7, s30;
	s6 =	sor.u32 $0x1C03, s31  }
0xd: {  	s9 =	sadd.s32 s9, s2;
	s11 =	sadd.s32 $0x2000, s10;
	s13 =	sadd.s32 $0xC000, s10  }
0xe: {  	s23 =	sadd.s32 $0x18800, s8;
	s7 =	smax.u32 s7, $0x1;
	s8 =	sshrl.u32 s9, $0x3  }
0xf: {  	s9 =	simm.s32 $0x3;
	s10 =	sadd.s32 s12, s11;
	s11 =	sadd.s32 s12, s13  }
0x10: {  	s12 =	simm.s32 $0x1400;
	s13 =	simm.s32 $0x80;
	s23 =	sadd.s32 s24, s23  }
0x11: {  	s24 =	simm.s32 $0x0;
	s21 =	sadd.s32 $0x280, s10;
	s22 =	sadd.s32 $0x280, s11  }
.LBB2_1:
0x12: {  	[spmem:s8], [sflag:s6] =	dma.local [hbm:s5], $0x2780  }
0x13: {  	_ =	swait.ge [sflag:s9], $0x2780  }
0x14: {  	[sflag:s9] =	ssyncset.done $0x0  }
0x15: {  	[sflag:s9] =	ssyncadd.s32 $0xFFFFD880  }
0x16: {  	[tilespmem:s3], [sflag:$0x3] =	stream.linear.gather [hbm4b:s10+s3], $0x1400, $0x38;
	[tilespmem:$0x1E400] =	vst v63  }
0x17: {  	_ =	swait.ge [sflag:s9], $0x1400  }
0x18: {  	[sflag:s9] =	ssyncset.done $0x0  }
0x19: {  	[sflag:s9] =	ssyncadd.s32 $0xFFFFEC00  }
0x1a: {  	[tilespmem:s12], [sflag:$0x3] =	stream.linear.gather [hbm4b:s11+s3], $0x1400, $0x38;
	[tilespmem:$0x1E400] =	vst v63  }
0x1b: {  	_ =	swait.ge [sflag:s9], $0x1400  }
0x1c: {  	[sflag:s9] =	ssyncset.done $0x0  }
0x1d: {  	[sflag:s9] =	ssyncadd.s32 $0xFFFFEC00  }
0x1e: {  	[bflag:$0x0] =	sbarrier.arrive $0xFFFF  }
0x1f: {  	[tilespmem:s14], [sflag:$0x1] =	stream.indirect.gather [hbm4b:s1+s13], $0x80, s3, s13, $0xb8;
	[tilespmem:$0x1E400] =	vst v63  }
0x20: {  	s25 =	simm.s32 $0x80  }
0x21: {  	[tilespmem:s15], [sflag:$0x2] =	stream.indirect.gather [hbm4b:s1+s13], $0x80, s25, s13, $0xb8;
	[tilespmem:$0x1E400] =	vst v63  }
0x22: {  	_ =	swait.ge [sflag:s16], $0x4000  }
0x23: {  	[sflag:s16] =	ssyncset.done $0x0  }
0x24: {  	s29 =	simm.s32 $0x1400;
	[sflag:s16] =	ssyncadd.s32 $0xFFFFC000  }
0x25: {  	[spmem:s2] =	stream.indirect.scatter.add.f32 [tilespmem:s14], [sflag:$0x3], $0x80, s29, s13, $0xb8;
	[tilespmem:$0x1E400] =	vst v63  }
0x26: {  	_ =	swait.ge [sflag:s9], $0x4000  }
0x27: {  	[sflag:s9] =	ssyncset.done $0x0  }
0x28: {  	s30 =	simm.s32 $0x100;
	[sflag:s9] =	ssyncadd.s32 $0xFFFFC000  }
0x29: {  	[tilespmem:s14], [sflag:$0x1] =	stream.indirect.gather [hbm4b:s1+s13], $0x80, s30, s13, $0xb8;
	[tilespmem:$0x1E400] =	vst v63  }
0x2a: {  	_ =	swait.ge [sflag:s17], $0x4000  }
0x2b: {  	[sflag:s17] =	ssyncset.done $0x0  }
0x2c: {  	s31 =	simm.s32 $0x1480;
	[sflag:s17] =	ssyncadd.s32 $0xFFFFC000  }
0x2d: {  	[spmem:s2] =	stream.indirect.scatter.add.f32 [tilespmem:s15], [sflag:$0x3], $0x80, s31, s13, $0xb8;
	[tilespmem:$0x1E400] =	vst v63  }
0x2e: {  	_ =	swait.ge [sflag:s9], $0x4000  }
0x2f: {  	s26 =	simm.s32 $0x800;
	s25 =	simm.s32 $0x100;
	[sflag:s9] =	ssyncset.done $0x0  }
.LBB2_2:
0x30: {  	s28 =	sadd.s32 $0x80, s25  }
0x31: {  	[sflag:s9] =	ssyncadd.s32 $0xFFFFC000;
	s29 =	smov.u32 s26;
	s30 =	sadd.s32 $0x400, s26  }
0x32: {  	[tilespmem:s15], [sflag:$0x2] =	stream.indirect.gather [hbm4b:s1+s13], $0x80, s28, s13, $0xb8;
	[tilespmem:$0x1E400] =	vst v63  }
0x33: {  	p0 =	sne.s32 s26, $0x4800;
	_ =	swait.ge [sflag:s16], $0x4000  }
0x34: {  	[sflag:s16] =	ssyncset.done $0x0  }
0x35: {  	s26 =	sadd.s32 $0x1400, s25;
	[sflag:s16] =	ssyncadd.s32 $0xFFFFC000  }
0x36: {  	[spmem:s2] =	stream.indirect.scatter.add.f32 [tilespmem:s14], [sflag:$0x3], $0x80, s26, s13, $0xb8;
	[tilespmem:$0x1E400] =	vst v63  }
0x37: {  	_ =	swait.ge [sflag:s9], $0x4000  }
0x38: {  	[sflag:s9] =	ssyncset.done $0x0  }
0x39: {  	s26 =	sadd.s32 $0x100, s25;
	[sflag:s9] =	ssyncadd.s32 $0xFFFFC000  }
0x3a: {  	[tilespmem:s14], [sflag:$0x1] =	stream.indirect.gather [hbm4b:s1+s13], $0x80, s26, s13, $0xb8;
	[tilespmem:$0x1E400] =	vst v63  }
0x3b: {  	_ =	swait.ge [sflag:s17], $0x4000  }
.Ltmp0:
0x3c: {  	[sflag:s17] =	ssyncset.done $0x0;
	(pc) =	sbr.rel @p0 .LBB2_2-.Ltmp0, $4  }
0x3d: {  	s25 =	sadd.s32 $0x1480, s25;
	[sflag:s17] =	ssyncadd.s32 $0xFFFFC000  }
0x3e: {  	[spmem:s2] =	stream.indirect.scatter.add.f32 [tilespmem:s15], [sflag:$0x3], $0x80, s25, s13, $0xb8;
	[tilespmem:$0x1E400] =	vst v63  }
0x3f: {  	_ =	swait.ge [sflag:s9], $0x4000  }
0x40: {  	s26 =	smov.u32 s30;
	s25 =	sshra.s32 s29, $0x2;
	[sflag:s9] =	ssyncset.done $0x0  }
0x41: {  	s26 =	sadd.s32 $0x80, s25;
	[sflag:s9] =	ssyncadd.s32 $0xFFFFC000  }
0x42: {  	[tilespmem:s15], [sflag:$0x2] =	stream.indirect.gather [hbm4b:s1+s13], $0x80, s26, s13, $0xb8;
	[tilespmem:$0x1E400] =	vst v63  }
0x43: {  	_ =	swait.ge [sflag:s16], $0x4000  }
0x44: {  	[sflag:s16] =	ssyncset.done $0x0  }
0x45: {  	s29 =	sadd.s32 $0x1400, s25;
	[sflag:s16] =	ssyncadd.s32 $0xFFFFC000  }
0x46: {  	[spmem:s2] =	stream.indirect.scatter.add.f32 [tilespmem:s14], [sflag:$0x3], $0x80, s29, s13, $0xb8;
	[tilespmem:$0x1E400] =	vst v63  }
0x47: {  	_ =	swait.ge [sflag:s9], $0x4000  }
0x48: {  	[sflag:s9] =	ssyncset.done $0x0  }
0x49: {  	s30 =	sadd.s32 $0x100, s25;
	[sflag:s9] =	ssyncadd.s32 $0xFFFFC000  }
0x4a: {  	[tilespmem:s14], [sflag:$0x1] =	stream.indirect.gather [hbm4b:s1+s13], $0x80, s30, s13, $0xb8;
	[tilespmem:$0x1E400] =	vst v63  }
0x4b: {  	_ =	swait.ge [sflag:s17], $0x4000  }
0x4c: {  	[sflag:s17] =	ssyncset.done $0x0  }
0x4d: {  	s31 =	sadd.s32 $0x1480, s25;
	[sflag:s17] =	ssyncadd.s32 $0xFFFFC000  }
0x4e: {  	[spmem:s2] =	stream.indirect.scatter.add.f32 [tilespmem:s15], [sflag:$0x3], $0x80, s31, s13, $0xb8;
	[tilespmem:$0x1E400] =	vst v63  }
0x4f: {  	_ =	swait.ge [sflag:s9], $0x4000  }
0x50: {  	[sflag:s9] =	ssyncset.done $0x0  }
0x51: {  	[sflag:s9] =	ssyncadd.s32 $0xFFFFC000  }
0x52: {  	[tilespmem:s15], [sflag:$0x2] =	stream.indirect.gather [hbm4b:s1+s13], $0x80, s18, s13, $0xb8;
	[tilespmem:$0x1E400] =	vst v63  }
0x53: {  	_ =	swait.ge [sflag:s16], $0x4000  }
0x54: {  	[sflag:s16] =	ssyncset.done $0x0  }
0x55: {  	[sflag:s16] =	ssyncadd.s32 $0xFFFFC000  }
0x56: {  	[spmem:s2] =	stream.indirect.scatter.add.f32 [tilespmem:s14], [sflag:$0x3], $0x80, s19, s13, $0xb8;
	[tilespmem:$0x1E400] =	vst v63  }
0x57: {  	_ =	swait.ge [sflag:s9], $0x4000  }
0x58: {  	[sflag:s9] =	ssyncset.done $0x0  }
0x59: {  	[sflag:s9] =	ssyncadd.s32 $0xFFFFC000  }
0x5a: {  	_ =	swait.ge [sflag:s17], $0x4000  }
0x5b: {  	[sflag:s17] =	ssyncset.done $0x0  }
0x5c: {  	[sflag:s17] =	ssyncadd.s32 $0xFFFFC000  }
0x5d: {  	[spmem:s2] =	stream.indirect.scatter.add.f32 [tilespmem:s15], [sflag:$0x3], $0x80, s20, s13, $0xb8;
	[tilespmem:$0x1E400] =	vst v63  }
0x5e: {  	_ =	swait.ge [sflag:s9], $0x4000  }
0x5f: {  	[sflag:s9] =	ssyncset.done $0x0  }
0x60: {  	s26 =	simm.s32 $0x0;
	[sflag:s9] =	ssyncadd.s32 $0xFFFFC000  }
0x61: {  	[tilespmem:s26], [sflag:$0x3] =	stream.linear.gather [hbm4b:s21+s26], $0x1400, $0x38;
	[tilespmem:$0x1E400] =	vst v63  }
0x62: {  	_ =	swait.ge [sflag:s9], $0x1400  }
0x63: {  	[sflag:s9] =	ssyncset.done $0x0  }
0x64: {  	[sflag:s9] =	ssyncadd.s32 $0xFFFFEC00  }
0x65: {  	[tilespmem:s12], [sflag:$0x3] =	stream.linear.gather [hbm4b:s22+s26], $0x1400, $0x38;
	[tilespmem:$0x1E400] =	vst v63  }
0x66: {  	_ =	swait.ge [sflag:s9], $0x1400  }
0x67: {  	[sflag:s9] =	ssyncset.done $0x0  }
0x68: {  	[sflag:s9] =	ssyncadd.s32 $0xFFFFEC00  }
0x69: {  	[tilespmem:s14], [sflag:$0x1] =	stream.indirect.gather [hbm4b:s1+s13], $0x80, s26, s13, $0xb8;
	[tilespmem:$0x1E400] =	vst v63  }
0x6a: {  	s28 =	simm.s32 $0x80  }
0x6b: {  	[tilespmem:s15], [sflag:$0x2] =	stream.indirect.gather [hbm4b:s1+s13], $0x80, s28, s13, $0xb8;
	[tilespmem:$0x1E400] =	vst v63  }
0x6c: {  	_ =	swait.ge [sflag:s16], $0x4000  }
0x6d: {  	[sflag:s16] =	ssyncset.done $0x0  }
0x6e: {  	s29 =	simm.s32 $0x1400;
	[sflag:s16] =	ssyncadd.s32 $0xFFFFC000  }
0x6f: {  	[spmem:s2] =	stream.indirect.scatter.add.f32 [tilespmem:s14], [sflag:$0x3], $0x80, s29, s13, $0xb8;
	[tilespmem:$0x1E400] =	vst v63  }
0x70: {  	_ =	swait.ge [sflag:s9], $0x4000  }
0x71: {  	[sflag:s9] =	ssyncset.done $0x0  }
0x72: {  	s30 =	simm.s32 $0x100;
	[sflag:s9] =	ssyncadd.s32 $0xFFFFC000  }
0x73: {  	[tilespmem:s14], [sflag:$0x1] =	stream.indirect.gather [hbm4b:s1+s13], $0x80, s30, s13, $0xb8;
	[tilespmem:$0x1E400] =	vst v63  }
0x74: {  	_ =	swait.ge [sflag:s17], $0x4000  }
0x75: {  	[sflag:s17] =	ssyncset.done $0x0  }
0x76: {  	s31 =	simm.s32 $0x1480;
	[sflag:s17] =	ssyncadd.s32 $0xFFFFC000  }
0x77: {  	[spmem:s2] =	stream.indirect.scatter.add.f32 [tilespmem:s15], [sflag:$0x3], $0x80, s31, s13, $0xb8;
	[tilespmem:$0x1E400] =	vst v63  }
0x78: {  	_ =	swait.ge [sflag:s9], $0x4000  }
0x79: {  	s25 =	simm.s32 $0x100;
	s26 =	simm.s32 $0x800;
	[sflag:s9] =	ssyncset.done $0x0  }
.LBB2_4:
0x7a: {  	s28 =	sadd.s32 $0x80, s25  }
0x7b: {  	[sflag:s9] =	ssyncadd.s32 $0xFFFFC000;
	s29 =	smov.u32 s26;
	s30 =	sadd.s32 $0x400, s26  }
0x7c: {  	[tilespmem:s15], [sflag:$0x2] =	stream.indirect.gather [hbm4b:s1+s13], $0x80, s28, s13, $0xb8;
	[tilespmem:$0x1E400] =	vst v63  }
0x7d: {  	p0 =	sne.s32 s26, $0x4800;
	_ =	swait.ge [sflag:s16], $0x4000  }
0x7e: {  	[sflag:s16] =	ssyncset.done $0x0  }
0x7f: {  	s26 =	sadd.s32 $0x1400, s25;
	[sflag:s16] =	ssyncadd.s32 $0xFFFFC000  }
0x80: {  	[spmem:s2] =	stream.indirect.scatter.add.f32 [tilespmem:s14], [sflag:$0x3], $0x80, s26, s13, $0xb8;
	[tilespmem:$0x1E400] =	vst v63  }
0x81: {  	_ =	swait.ge [sflag:s9], $0x4000  }
0x82: {  	[sflag:s9] =	ssyncset.done $0x0  }
0x83: {  	s26 =	sadd.s32 $0x100, s25;
	[sflag:s9] =	ssyncadd.s32 $0xFFFFC000  }
0x84: {  	[tilespmem:s14], [sflag:$0x1] =	stream.indirect.gather [hbm4b:s1+s13], $0x80, s26, s13, $0xb8;
	[tilespmem:$0x1E400] =	vst v63  }
0x85: {  	_ =	swait.ge [sflag:s17], $0x4000  }
.Ltmp1:
0x86: {  	[sflag:s17] =	ssyncset.done $0x0;
	(pc) =	sbr.rel @p0 .LBB2_4-.Ltmp1, $4  }
0x87: {  	s25 =	sadd.s32 $0x1480, s25;
	[sflag:s17] =	ssyncadd.s32 $0xFFFFC000  }
0x88: {  	[spmem:s2] =	stream.indirect.scatter.add.f32 [tilespmem:s15], [sflag:$0x3], $0x80, s25, s13, $0xb8;
	[tilespmem:$0x1E400] =	vst v63  }
0x89: {  	_ =	swait.ge [sflag:s9], $0x4000  }
0x8a: {  	s26 =	smov.u32 s30;
	s25 =	sshra.s32 s29, $0x2;
	[sflag:s9] =	ssyncset.done $0x0  }
0x8b: {  	s26 =	sadd.s32 $0x80, s25;
	[sflag:s9] =	ssyncadd.s32 $0xFFFFC000  }
0x8c: {  	[tilespmem:s15], [sflag:$0x2] =	stream.indirect.gather [hbm4b:s1+s13], $0x80, s26, s13, $0xb8;
	[tilespmem:$0x1E400] =	vst v63  }
0x8d: {  	_ =	swait.ge [sflag:s16], $0x4000  }
0x8e: {  	[sflag:s16] =	ssyncset.done $0x0  }
0x8f: {  	s29 =	sadd.s32 $0x1400, s25;
	[sflag:s16] =	ssyncadd.s32 $0xFFFFC000  }
0x90: {  	[spmem:s2] =	stream.indirect.scatter.add.f32 [tilespmem:s14], [sflag:$0x3], $0x80, s29, s13, $0xb8;
	[tilespmem:$0x1E400] =	vst v63  }
0x91: {  	_ =	swait.ge [sflag:s9], $0x4000  }
0x92: {  	[sflag:s9] =	ssyncset.done $0x0  }
0x93: {  	s30 =	sadd.s32 $0x100, s25;
	[sflag:s9] =	ssyncadd.s32 $0xFFFFC000  }
0x94: {  	[tilespmem:s14], [sflag:$0x1] =	stream.indirect.gather [hbm4b:s1+s13], $0x80, s30, s13, $0xb8;
	[tilespmem:$0x1E400] =	vst v63  }
0x95: {  	_ =	swait.ge [sflag:s17], $0x4000  }
0x96: {  	[sflag:s17] =	ssyncset.done $0x0  }
0x97: {  	s31 =	sadd.s32 $0x1480, s25;
	[sflag:s17] =	ssyncadd.s32 $0xFFFFC000  }
0x98: {  	[spmem:s2] =	stream.indirect.scatter.add.f32 [tilespmem:s15], [sflag:$0x3], $0x80, s31, s13, $0xb8;
	[tilespmem:$0x1E400] =	vst v63  }
0x99: {  	_ =	swait.ge [sflag:s9], $0x4000  }
0x9a: {  	[sflag:s9] =	ssyncset.done $0x0  }
0x9b: {  	[sflag:s9] =	ssyncadd.s32 $0xFFFFC000  }
0x9c: {  	[tilespmem:s15], [sflag:$0x2] =	stream.indirect.gather [hbm4b:s1+s13], $0x80, s18, s13, $0xb8;
	[tilespmem:$0x1E400] =	vst v63  }
0x9d: {  	_ =	swait.ge [sflag:s16], $0x4000  }
0x9e: {  	[sflag:s16] =	ssyncset.done $0x0  }
0x9f: {  	[sflag:s16] =	ssyncadd.s32 $0xFFFFC000  }
0xa0: {  	[spmem:s2] =	stream.indirect.scatter.add.f32 [tilespmem:s14], [sflag:$0x3], $0x80, s19, s13, $0xb8;
	[tilespmem:$0x1E400] =	vst v63  }
0xa1: {  	_ =	swait.ge [sflag:s9], $0x4000  }
0xa2: {  	[sflag:s9] =	ssyncset.done $0x0  }
0xa3: {  	[sflag:s9] =	ssyncadd.s32 $0xFFFFC000  }
0xa4: {  	_ =	swait.ge [sflag:s17], $0x4000  }
0xa5: {  	[sflag:s17] =	ssyncset.done $0x0  }
0xa6: {  	[sflag:s17] =	ssyncadd.s32 $0xFFFFC000  }
0xa7: {  	[spmem:s2] =	stream.indirect.scatter.add.f32 [tilespmem:s15], [sflag:$0x3], $0x80, s20, s13, $0xb8;
	[tilespmem:$0x1E400] =	vst v63  }
0xa8: {  	_ =	swait.ge [sflag:s9], $0x4000  }
0xa9: {  	s24 =	sadd.s32 $0x1, s24;
	[sflag:s9] =	ssyncset.done $0x0  }
0xaa: {  	p0 =	sne.s32 s24, s7;
	[sflag:s9] =	ssyncadd.s32 $0xFFFFC000  }
.Ltmp2:
0xab: {  	[bflag:$0x0] =	sbarrier.arrive $0xFFFF;
	(pc) =	sbr.rel @p0 .LBB2_1-.Ltmp2, $4  }
0xac: {  	[hbm:s23], [sflag:s6] =	dma.local [spmem:s8], $0x2780  }
0xad: {  	_ =	swait.ge [sflag:s9], $0x2780  }
0xae: {  	[sflag:s9] =	ssyncset.done $0x0  }
0xaf: {  	[sflag:s9] =	ssyncadd.s32 $0xFFFFD880  }
0xb0: {  	_ =	sfence.sel $0x180000  }
0xb1: {  	[bflag:$0x0] =	sbarrier.arrive $0xFFFF  }
0xb2: {  	p0 =	sne.s32 s4, $0x0;
	_ =	strace $0x9000004D  }
0xb3: {  	s0 =	sadd.s32 @!p0 $0x100000, s0;
	[bflag:$0x2] =	sbarrier.arrive $0xFFFF  }
0xb4: {  	[sflag:s0] =	ssyncadd.tile.s32 @!p0 $0x1;
	_ =	shalt  }
.Lfunc_end2:
_tile_overlayer_lowered:
.L_overlay_start_2:
0xb5: {  	(tag) =	ssettag $0x2  }
0xb6: {  	s0 =	rddreg [dreg:$0x0];
	s2 =	stileid.u32  }
0xb7: {  	s1 =	rddreg [dreg:$0x1];
	p0 =	sne.s32 s2, $0x0  }
0xb8: {  	s3 =	rddreg [dreg:$0x2];
	[bflag:$0x3] =	sbarrier.arrive $0xFFFF;
	s2 =	simm.s32 @!p0 $0x1C03  }
0xb9: {  	[timem:s3], [sflag:s2] =	dma.local @!p0 [hbm:s0], s1  }
0xba: {  	s0 =	simm.s32 @!p0 $0x3  }
0xbb: {  	_ =	swait.ge @!p0 [sflag:s0], s1  }
0xbc: {  	s1 =	ssub.s32 @!p0 $0x0, s1;
	[sflag:s0] =	ssyncset.done @!p0 $0x0  }
0xbd: {  	[sflag:s0] =	ssyncadd.s32 @!p0 s1  }
0xbe: {  	[bflag:$0x3] =	sbarrier.arrive $0xFFFF  }
0xbf: {  	_ =	shalt  }

// kernel: kernel.8.cloned.1.call-start
scs
__scs_entry_jumppad:
0x0: {  	(pc) =	sbr.rel $0x88, $3  }
0x1: {  	(tag) =	ssettag $0x0;
	lr =	simm.s32 $0x1  }
0x2: {  	[smem:$0x3F9B] =	sst lr;
	_ =	strace $0xD0000000  }
0x3: {  	_ = 	snop  }
0x4: {  	_ = 	snop  }
0x5: {  	_ = 	snop  }
0x6: {  	_ = 	snop  }
0x7: {  	_ = 	snop  }
__scs_overlays_trampoline_lowered:
0x8: {  	[smem:$0x3FAA] =	sst s0  }
0x9: {  	[smem:$0x3FAB] =	sst s1  }
0xa: {  	[smem:$0x3FAC] =	sst s2  }
0xb: {  	[smem:$0x3FAD] =	sst s3  }
0xc: {  	[smem:$0x3FAE] =	sst s4  }
0xd: {  	[smem:$0x3FAF] =	sst s5  }
0xe: {  	[smem:$0x3FB0] =	sst s6  }
0xf: {  	[smem:$0x3FB1] =	sst s7  }
0x10: {  	[smem:$0x3FB2] =	sst s8  }
0x11: {  	[smem:$0x3FB3] =	sst s9;
	s0 =	simm.s32 @!p0 $0x0  }
0x12: {  	s1 =	sld [smem:$0x3F99];
	s0 =	simm.s32 @p0 $0x1  }
0x13: {  	[smem:$0x3FB4] =	sst s0;
	s0 =	simm.s32 @!p1 $0x0  }
0x14: {  	s2 =	sld [smem:$0x3F98];
	s0 =	simm.s32 @p1 $0x1  }
0x15: {  	[smem:$0x3FB5] =	sst s0;
	s0 =	simm.s32 @!p2 $0x0  }
0x16: {  	s3 =	sld [smem:$0x3FDB];
	s0 =	simm.s32 @p2 $0x1  }
0x17: {  	s4 =	simm.s32 $0x1BF5;
	[smem:$0x3FB7] =	sst s0  }
0x18: {  	s0 =	sld [smem:$0x3F9A];
	_ =	swait.ge [sflag:s4], $0x0  }
0x19: {  	s7 =	sld [smem:$0x3F9B]  }
0x1a: {  	s8 =	sadd.s32 $0xFFFFE003, lr  }
0x1b: {  	s9 =	sadd.s32 $0xFFFFFEF7, lr;
	s5 =	simm.s32 $0xFFFFFFFF;
	p2 =	slt.u32 s8, $0xFFFFF086  }
0x1c: {  	p1 =	slt.u32 s9, $0xF7A;
	s5 =	simm.s32 @!p2 $0x0  }
0x1d: {  	s5 =	simm.s32 @p1 $0x1;
	p0 =	seq.s32 s7, s2  }
0x1e: {  	s7 =	smul.u32 @!p0 $0xF7A, s2;
	p2 =	seq.s32 @!p0 s5, $0x0  }
0x1f: {  	s9 =	smul.u32 $0xF7A, s1;
	s8 =	simm.s32 @!p0 $0x1BF5;
	p2 =	por !p2, p0  }
0x20: {  	[sflag:s8] =	ssyncset.s32 @!p0 $0xFFFFF086;
	s6 =	sadd.s32 @!p0 s3, s7;
	s7 =	simm.s32 @!p0 $0x108  }
0x21: {  	s3 =	sadd.s32 s3, s9;
	s6 =	sadd.s32 @!p0 $0x88, s6;
	s7 =	simm.s32 @p2 $0x1082  }
0x22: {  	[simem:s7], [sflag:s8] =	dma.local @!p0 [hbm:s6], $0xF7A  }
0x23: {  	s9 =	sor.u32 $0xD0000000, s2;
	s6 =	simm.s32 $0x108;
	_ =	swait.ge @!p0 [sflag:s8], $0x0  }
0x24: {  	s3 =	sadd.s32 $0x88, s3;
	s6 =	simm.s32 @!p1 $0x1082;
	[sflag:s4] =	ssyncset.s32 $0xFFFFF086  }
0x25: {  	[simem:s6], [sflag:s4] =	dma.local [hbm:s3], $0xF7A  }
0x26: {  	[smem:$0x3F9B] =	sst s1;
	(tag) =	ssettag s2;
	_ =	strace s9  }
0x27: {  	s1 =	sld [smem:$0x3FAB]  }
0x28: {  	s2 =	sld [smem:$0x3FAC]  }
0x29: {  	s4 =	sld [smem:$0x3FAE]  }
0x2a: {  	p0 =	seq.s32 s5, $0x0;
	s5 =	sld [smem:$0x3FAF]  }
0x2b: {  	s6 =	sld [smem:$0x3FB0]  }
0x2c: {  	s7 =	sld [smem:$0x3FB1]  }
0x2d: {  	s3 =	simm.s32 $0x108;
	s8 =	sld [smem:$0x3FB2]  }
0x2e: {  	s3 =	simm.s32 @!p0 $0x1082;
	s9 =	sld [smem:$0x3FB3]  }
0x2f: {  	lr =	sadd.s32 s0, s3;
	s0 =	sld [smem:$0x3FAA]  }
0x30: {  	s3 =	sld [smem:$0x3FAD]  }
0x31: {  	[smem:$0x3FB6] =	sst s10  }
0x32: {  	s10 =	sld [smem:$0x3FB4];
	_ =	sdelay $0x3  }
0x33: {  	p0 =	seq.s32 s10, $0x1;
	s10 =	sld [smem:$0x3FB6];
	_ =	sdelay $0x3  }
0x34: {  	[smem:$0x3FB6] =	sst s10  }
0x35: {  	s10 =	sld [smem:$0x3FB5];
	_ =	sdelay $0x3  }
0x36: {  	p1 =	seq.s32 s10, $0x1;
	s10 =	sld [smem:$0x3FB6];
	_ =	sdelay $0x3  }
0x37: {  	[smem:$0x3FB6] =	sst s10  }
0x38: {  	s10 =	sld [smem:$0x3FB7]  }
0x39: {  	_ = 	snop;
	(pc) =	sbr.ind lr, $3  }
0x3a: {  	_ = 	snop  }
0x3b: {  	_ = 	snop  }
0x3c: {  	p2 =	seq.s32 s10, $0x1;
	s10 =	sld [smem:$0x3FB6]  }
0x3d: {  	_ =	shalt  }
0x3e: {  	_ =	shalt  }
0x3f: {  	_ =	shalt  }
0x40: {  	_ =	shalt  }
0x41: {  	_ =	shalt  }
0x42: {  	_ =	shalt  }
0x43: {  	_ =	shalt  }
0x44: {  	_ =	shalt  }
0x45: {  	_ =	shalt  }
0x46: {  	_ =	shalt  }
0x47: {  	_ =	shalt  }
0x48: {  	_ =	shalt  }
0x49: {  	_ =	shalt  }
0x4a: {  	_ =	shalt  }
0x4b: {  	_ =	shalt  }
0x4c: {  	_ =	shalt  }
0x4d: {  	_ =	shalt  }
0x4e: {  	_ =	shalt  }
0x4f: {  	_ =	shalt  }
0x50: {  	_ =	shalt  }
0x51: {  	_ =	shalt  }
0x52: {  	_ =	shalt  }
0x53: {  	_ =	shalt  }
0x54: {  	_ =	shalt  }
0x55: {  	_ =	shalt  }
0x56: {  	_ =	shalt  }
0x57: {  	_ =	shalt  }
0x58: {  	_ =	shalt  }
0x59: {  	_ =	shalt  }
0x5a: {  	_ =	shalt  }
0x5b: {  	_ =	shalt  }
0x5c: {  	_ =	shalt  }
0x5d: {  	_ =	shalt  }
0x5e: {  	_ =	shalt  }
0x5f: {  	_ =	shalt  }
0x60: {  	_ =	shalt  }
0x61: {  	_ =	shalt  }
0x62: {  	_ =	shalt  }
0x63: {  	_ =	shalt  }
0x64: {  	_ =	shalt  }
0x65: {  	_ =	shalt  }
0x66: {  	_ =	shalt  }
0x67: {  	_ =	shalt  }
0x68: {  	_ =	shalt  }
0x69: {  	_ =	shalt  }
0x6a: {  	_ =	shalt  }
0x6b: {  	_ =	shalt  }
0x6c: {  	_ =	shalt  }
0x6d: {  	_ =	shalt  }
0x6e: {  	_ =	shalt  }
0x6f: {  	_ =	shalt  }
0x70: {  	_ =	shalt  }
0x71: {  	_ =	shalt  }
0x72: {  	_ =	shalt  }
0x73: {  	_ =	shalt  }
0x74: {  	_ =	shalt  }
0x75: {  	_ =	shalt  }
0x76: {  	_ =	shalt  }
0x77: {  	_ =	shalt  }
0x78: {  	_ =	shalt  }
0x79: {  	_ =	shalt  }
0x7a: {  	_ =	shalt  }
0x7b: {  	_ =	shalt  }
0x7c: {  	_ =	shalt  }
0x7d: {  	_ =	shalt  }
0x7e: {  	_ =	shalt  }
0x7f: {  	_ =	shalt  }
0x80: {  	_ =	shalt  }
0x81: {  	_ =	shalt  }
0x82: {  	_ =	shalt  }
0x83: {  	_ =	shalt  }
0x84: {  	_ =	shalt  }
0x85: {  	_ =	shalt  }
0x86: {  	_ =	shalt  }
0x87: {  	_ =	shalt  }
.Lfunc_end0:
.L_simem_size_0:
called_computation_lowered:
.L_overlay_start_0:
0x88: {  	s2 =	sld [smem:$0x3FD9]  }
0x89: {  	s3 =	sld [smem:$0x3FFE];
	_ =	sdelay $0x1  }
0x8a: {  	s1 =	srdreg.scid  }
0x8b: {  	s0 =	sand.u32 $0x1, s1  }
0x8c: {  	s17 =	sshll.u32 s0, $0xA;
	s2 =	sadd.s32 s3, s2  }
0x8d: {  	s2 =	sadd.s32 s2, s17  }
0x8e: {  	[smem:$0x3FC2] =	sst s2  }
0x8f: {  	_ = 	snop  }
0x90: {  	s2 =	sld [smem:$0x3FD0];
	(tm) =	ssettm $0x1  }
0x91: {  	s18 =	sld [smem:$0x3FFB];
	_ =	sdelay $0x3  }
0x92: {  	_ =	strace s18  }
0x93: {  	s3 =	sld [smem:$0x3FFC];
	_ =	sdelay $0x3  }
0x94: {  	_ =	strace s3  }
0x95: {  	s3 =	sld [smem:$0x3FFD];
	_ =	sdelay $0x3  }
0x96: {  	_ =	strace s3  }
0x97: {  	_ =	strace $0x8FFFFFFF  }
0x98: {  	s19 =	sld [smem:$0x3FDB];
	_ =	sdelay $0x1  }
0x99: {  	s4 =	simm.s32 $_scs_section_size  }
0x9a: {  	s5 =	simm.s32 $_size__tile_overlayer_lowered;
	s6 =	simm.s32 $_tile_overlayer_lowered  }
0x9b: {  	s22 =	simm.s32 $0x1BFF;
	s21 =	sshll.u32 s6, $0x1;
	s3 =	sadd.s32 s4, s19  }
0x9c: {  	s7 =	simm.s32 $0x0;
	s20 =	sshll.u32 s5, $0x1;
	s5 =	sadd.s32 s21, s3  }
0x9d: {  	[timem:s7], [sflag:s22] =	dma.local [hbm:s5], s20  }
0x9e: {  	_ =	swait.ge [sflag:s22], s20  }
0x9f: {  	s4 =	ssub.s32 $0x0, s20;
	[sflag:s22] =	ssyncset.done $0x0  }
0xa0: {  	[sflag:s22] =	ssyncadd.s32 s4;
	_ =	sdelay $0x1  }
0xa1: {  	s23 =	simm.s32 $0x1B8B  }
0xa2: {  	_ =	swait.ge [sflag:s23], $0x1  }
0xa3: {  	[sflag:s23] =	ssyncset.done $0x0  }
0xa4: {  	s25 =	simm.s32 $0x1B8E;
	s24 =	sld [smem:$0x3FFE];
	[sflag:s23] =	ssyncadd.s32 $0xFFFFFFFF  }
0xa5: {  	s26 =	simm.s32 $execute0_lowered;
	[smem:$0x3FD2] =	sst s25  }
0xa6: {  	s5 =	sshll.u32 s26, $0x1;
	_ =	strace $0x80000046;
	[dreg:$0x1] =	wrdreg $0xFFFFFFFF  }
0xa7: {  	s28 =	simm.s32 $_size_execute0_lowered;
	s3 =	sadd.s32 s3, s5;
	[dreg:$0x0] =	wrdreg $0x0  }
0xa8: {  	s5 =	sshll.u32 s28, $0x1;
	[dreg:$0x2] =	wrdreg s3  }
0xa9: {  	[dreg:$0x3] =	wrdreg s5  }
0xaa: {  	[dreg:$0x4] =	wrdreg $0xC0  }
0xab: {  	_ =	task [dreg:s7], $0x5FFFF  }
0xac: {  	[dreg:$0x1] =	wrdreg $0xFFFFFFFF  }
0xad: {  	[dreg:$0x0] =	wrdreg $0x60  }
0xae: {  	[dreg:$0x2] =	wrdreg s24  }
0xaf: {  	[dreg:$0x3] =	wrdreg s2  }
0xb0: {  	[dreg:$0x4] =	wrdreg $0x9  }
0xb1: {  	_ =	task.clear_ibuf [dreg:s7], $0x5FFFF;
	_ =	strace $0x90000046  }
0xb2: {  	s29 =	simm.s32 $0x9;
	_ =	strace $0x80000048  }
0xb3: {  	_ =	swait.ge [sflag:s29], $0x1  }
0xb4: {  	[sflag:s29] =	ssyncadd.s32 $0xFFFFFFFF  }
0xb5: {  	_ =	strace $0x90000048  }
0xb6: {  	_ =	sfence  }
0xb7: {  	s30 =	sld [smem:$0x0];
	_ =	sdelay $0x2  }
0xb8: {  	s31 =	sshll.u32 s1, $0xD;
	s1 =	sshrl.u32 s1, $0x2  }
0xb9: {  	s3 =	sand.u32 $0x4000, s31;
	s1 =	sadd.s32 s1, s30  }
0xba: {  	s0 =	sor.u32 s3, s0;
	s1 =	sshll.u32 s1, $0x11  }
0xbb: {  	s0 =	sor.u32 s1, s0  }
0xbc: {  	s0 =	sadd.s32 $0x8F2B, s0  }
0xbd: {  	[sflag:s0] =	ssyncadd.remote.s32 $0x1  }
0xbe: {  	_ =	sfence.sel $0xFFFF  }
0xbf: {  	[dreg:$0x0] =	wrdreg $0xFFFFFFFF;
	(pc) =	sbr.abs _section_cstart, $3  }
0xc0: {  	[dreg:$0x1] =	wrdreg $0xFFFFFFFF  }
0xc1: {  	_ =	task.clear_ibuf [dreg:s7], $0x2FFFF;
	_ =	strace $0x9FFFFFFF  }
0xc2: {  	(tm) =	ssettm $0x7FFFFFFF  }
0xc3: {  	_ =	shalt  }
tec
execute0_lowered:
.L_overlay_start_1:
0x0: {  	(tag) =	ssettag $0x1  }
0x1: {  	s3 =	rddreg [dreg:$0x0]  }
0x2: {  	s0 =	srdreg.scid;
	s4 =	rddreg [dreg:$0x1];
	s2 =	simm.s32 $0x0  }
0x3: {  	s1 =	stileid.u32;
	s5 =	sand.u32 $0x1, s0;
	s0 =	rddreg [dreg:$0x2]  }
0x4: {  	[smem:$0x7FF] =	sst s2;
	s13 =	smul.u32 $0x9E0, s1  }
0x5: {  	s7 =	sshrl.u32 s1, $0x3;
	s9 =	sshll.u32 s1, $0x7;
	s6 =	smul.u32 $0x5000, s5  }
0x6: {  	_ =	strace $0x80000047;
	s8 =	ssub.s32 $0x2, s5;
	s7 =	smul.u32 $0x14000, s7  }
0x7: {  	s9 =	sand.u32 $0x380, s9;
	s5 =	smul.u32 $0x9E00, s5;
	s10 =	sshrl.u32 s8, $0x1  }
0x8: {  	s6 =	sadd.s32 s6, s3;
	s3 =	sadd.s32 $0x2A000, s3;
	s8 =	ssub.s32 s8, s10  }
0x9: {  	s7 =	sor.u32 s9, s7;
	s12 =	sadd.s32 s4, s5;
	s5 =	simm.s32 $0x5000  }
0xa: {  	s9 =	simm.s32 $0x400;
	s30 =	sadd.s32 $0x16000, s6;
	s31 =	sshrl.u32 s7, $0x3  }
0xb: {  	s11 =	sadd.s32 $0x20000, s6;
	s4 =	smax.u32 s8, $0x1;
	s6 =	simm.s32 $0x1  }
0xc: {  	s8 =	simm.s32 $0x80;
	s12 =	sadd.s32 s13, s12;
	s13 =	simm.s32 $0x0  }
0xd: {  	v0 =	vimm.f32 $1.000000000e+00;
	s7 =	sadd.s32 s31, s30;
	s10 =	sadd.s32 s31, s11;
	s11 =	simm.s32 $0x2800  }
.LBB2_1:
0xe: {  	[tilespmem:s5], [sflag:$0x1] =	stream.linear.gather [hbm4b:s3+s2], $0x4F00, $0x38;
	[tilespmem:$0x9F00] =	vst v63  }
0xf: {  	_ =	swait.ge [sflag:s6], $0x4F00  }
0x10: {  	[sflag:s6] =	ssyncset.done $0x0  }
0x11: {  	[sflag:s6] =	ssyncadd.s32 $0xFFFFB100  }
0x12: {  	[tilespmem:s2], [sflag:$0x1] =	stream.strided.gather [hbm4b:s7+s8], $0x2800, s9, s8, $0x38;
	[tilespmem:$0x9F00] =	vst v63  }
0x13: {  	_ =	swait.ge [sflag:s6], $0x2800  }
0x14: {  	[sflag:s6] =	ssyncset.done $0x0  }
0x15: {  	[sflag:s6] =	ssyncadd.s32 $0xFFFFD800  }
0x16: {  	[tilespmem:s11], [sflag:$0x1] =	stream.strided.gather [hbm4b:s10+s8], $0x2800, s9, s8, $0x38;
	[tilespmem:$0x9F00] =	vst v63  }
0x17: {  	_ =	swait.ge [sflag:s6], $0x2800  }
0x18: {  	[sflag:s6] =	ssyncset.done $0x0  }
0x19: {  	s15 =	simm.s32 $0x0;
	[sflag:s6] =	ssyncadd.s32 $0xFFFFD800  }
0x1a: {  	s14 =	simm.s32 $0x40;
	v1 =	vld [tilespmem:s15+$0x0]  }
.LBB2_2:
0x1b: {  	p0 =	sne.s32 s14, $0x9FC0;
	v2 =	vld [tilespmem:s15+$0x2800];
	_ =	sdelay $0x4  }
0x1c: {  	v3 =	vand.u32 $0x7F, v1;
	v1 =	vshll.u32 v1, $0x1;
	v4 =	vshll.u32 v2, $0x1  }
0x1d: {  	v1 =	vand.u32 $0xFFFFFF00, v1;
	v2 =	vand.u32 $0x7F, v2;
	v4 =	vand.u32 $0xFFFFFF00, v4  }
0x1e: {  	v1 =	vor.u32 v3, v1;
	v2 =	vor.u32 v4, v2  }
0x1f: {  	v2 =	vor.u32 $0x80, v2;
	_ =	sdelay $0x1  }
.Ltmp0:
0x20: {  	(pc) =	sbr.rel @p0 .LBB2_2-.Ltmp0, $4  }
0x21: {  	_ = 	snop  }
0x22: {  	[tilespmem:v1+s5+$0x0] =	vst.idx.add.f32.msk $0xffff, v0  }
0x23: {  	s15 =	sshra.s32 s14, $0x2;
	[tilespmem:v2+s5+$0x0] =	vst.idx.add.f32.msk $0xffff, v0  }
0x24: {  	s14 =	sadd.s32 $0x40, s14;
	v1 =	vld [tilespmem:s15+$0x0]  }
0x25: {  	v2 =	vld [tilespmem:s15+$0x2800];
	_ =	sdelay $0x4  }
0x26: {  	v3 =	vand.u32 $0x7F, v1;
	v1 =	vshll.u32 v1, $0x1;
	v4 =	vshll.u32 v2, $0x1  }
0x27: {  	v1 =	vand.u32 $0xFFFFFF00, v1;
	v2 =	vand.u32 $0x7F, v2;
	v4 =	vand.u32 $0xFFFFFF00, v4  }
0x28: {  	v1 =	vor.u32 v3, v1;
	v2 =	vor.u32 v4, v2  }
0x29: {  	v2 =	vor.u32 $0x80, v2;
	_ =	sdelay $0x2  }
0x2a: {  	s13 =	sadd.s32 $0x1, s13  }
0x2b: {  	p0 =	sne.s32 s13, s4;
	[tilespmem:v1+s5+$0x0] =	vst.idx.add.f32.msk $0xffff, v0  }
.Ltmp1:
0x2c: {  	[tilespmem:v2+s5+$0x0] =	vst.idx.add.f32.msk $0xffff, v0;
	(pc) =	sbr.rel @p0 .LBB2_1-.Ltmp1, $4  }
0x2d: {  	[hbm4b:s12+s2] =	stream.linear.scatter [tilespmem:s5], [sflag:$0x1], $0x4F00, $0x38;
	[tilespmem:$0x9F00] =	vst v63  }
0x2e: {  	_ =	swait.ge [sflag:s6], $0x4F00  }
0x2f: {  	[sflag:s6] =	ssyncset.done $0x0  }
0x30: {  	[sflag:s6] =	ssyncadd.s32 $0xFFFFB100  }
0x31: {  	_ =	sfence.sel $0x180000  }
0x32: {  	[bflag:$0x0] =	sbarrier.arrive $0xFFFF  }
0x33: {  	p0 =	sne.s32 s1, $0x0;
	_ =	strace $0x90000047  }
0x34: {  	s0 =	sadd.s32 @!p0 $0x100000, s0;
	[bflag:$0x2] =	sbarrier.arrive $0xFFFF  }
0x35: {  	[sflag:s0] =	ssyncadd.tile.s32 @!p0 $0x1;
	_ =	shalt  }
.Lfunc_end2:
_tile_overlayer_lowered:
.L_overlay_start_2:
0x36: {  	(tag) =	ssettag $0x2  }
0x37: {  	s0 =	rddreg [dreg:$0x0];
	s2 =	stileid.u32  }
0x38: {  	s1 =	rddreg [dreg:$0x1];
	p0 =	sne.s32 s2, $0x0  }
0x39: {  	s3 =	rddreg [dreg:$0x2];
	[bflag:$0x3] =	sbarrier.arrive $0xFFFF;
	s2 =	simm.s32 @!p0 $0x1C01  }
0x3a: {  	[timem:s3], [sflag:s2] =	dma.local @!p0 [hbm:s0], s1  }
0x3b: {  	s0 =	simm.s32 @!p0 $0x1  }
0x3c: {  	_ =	swait.ge @!p0 [sflag:s0], s1  }
0x3d: {  	s1 =	ssub.s32 @!p0 $0x0, s1;
	[sflag:s0] =	ssyncset.done @!p0 $0x0  }
0x3e: {  	[sflag:s0] =	ssyncadd.s32 @!p0 s1  }
0x3f: {  	[bflag:$0x3] =	sbarrier.arrive $0xFFFF  }
0x40: {  	_ =	shalt  }

</sc_bundles>
